<compile_context>
chip_gen: v7x
topology: tpu7x:2x2x1
jax: 0.10.2.dev20260603
libtpu: 0.0.44.dev20260713+nightly
codegen_flags: <defaults>
</compile_context>

<pallas_src>
import jax
import jax.numpy as jnp
from jax import lax
from jax.experimental import pallas as pl
from jax.experimental.pallas import tpu as pltpu
from jax.experimental.pallas import tpu_sc as plsc

N_NODES = 10000
N_EDGES = 320000
D_FEAT = 128

NC = 2
NS = 16

DHALF = D_FEAT // NC
E_PER_TILE = N_EDGES // NS
BATCH = 160
NBATCH = E_PER_TILE // BATCH
HALF = 2
RING = 2 * HALF
NITER = NBATCH // RING
NLEFT = NBATCH - NITER * RING
N_PAD = 10240
ROWS_PER_TILE = N_PAD // NS
LAST_ROWS = N_NODES - 15 * ROWS_PER_TILE


def _sc_kernel(x2, src4, dst3, out,
               acc, idx_s, idx_d, rows, gsem, ssem):
  c = lax.axis_index("c")
  s = lax.axis_index("s")
  r0 = s * ROWS_PER_TILE

  a = pltpu.async_copy(src4.at[c, s], idx_s, gsem[0])
  b = pltpu.async_copy(dst3.at[s], idx_d, gsem[1])

  zv = jnp.zeros((16,), jnp.float32)
  def zstep(i, carry):
    for j in range(DHALF // 16):
      rows[RING - 1][i, pl.ds(j * 16, 16)] = zv
    return carry
  lax.fori_loop(0, BATCH, zstep, 0)
  a.wait()

  for u in range(HALF):
    pltpu.async_copy(x2.at[idx_s.at[u]], rows[u], gsem[u])

  for k in range(ROWS_PER_TILE // BATCH):
    pltpu.sync_copy(rows[RING - 1], acc.at[pl.ds(r0 + k * BATCH, BATCH)])
  b.wait()
  plsc.subcore_barrier()

  def body(xh):
    def issue_gather(b, u):
      return pltpu.async_copy(xh.at[idx_s.at[b]], rows[u], gsem[u])

    def wait_gather(b, u):
      pltpu.make_async_copy(xh.at[idx_s.at[b]], rows[u], gsem[u]).wait()

    def issue_scatter(b, u):
      return pltpu.async_copy(rows[u], acc.at[idx_d.at[b]], ssem[u],
                              add=True)

    def wait_scatter(b, u):
      pltpu.make_async_copy(rows[u], acc.at[idx_d.at[b]], ssem[u]).wait()

    def step(q, carry):
      bA = q * RING
      bB = bA + HALF
      for u in range(HALF):
        issue_gather(bB + u, HALF + u)
      for u in range(HALF):
        wait_gather(bA + u, u)
        issue_scatter(bA + u, u)
      for u in range(HALF):
        wait_scatter(bA + u, u)

      @pl.when(q < NITER - 1)
      def _():
        for u in range(HALF):
          issue_gather(bA + RING + u, u)

      for u in range(HALF):
        wait_gather(bB + u, HALF + u)
        issue_scatter(bB + u, HALF + u)
      for u in range(HALF):
        wait_scatter(bB + u, HALF + u)
      return carry
    lax.fori_loop(0, NITER, step, 0)

    for u in range(NLEFT):
      b = NITER * RING + u
      issue_gather(b, u).wait()
      issue_scatter(b, u).wait()

  body(x2)

  plsc.subcore_barrier()

  @pl.when(s < NS - 1)
  def _():
    pltpu.sync_copy(
        acc.at[pl.ds(r0, ROWS_PER_TILE)],
        out.at[pl.ds(r0, ROWS_PER_TILE), pl.ds(c * DHALF, DHALF)],
    )

  @pl.when(s == NS - 1)
  def _():
    pltpu.sync_copy(
        acc.at[pl.ds(r0, LAST_ROWS)],
        out.at[pl.ds(r0, LAST_ROWS), pl.ds(c * DHALF, DHALF)],
    )


@jax.jit
def _path_add(x2, src4, dst3):
  mesh = plsc.VectorSubcoreMesh(core_axis_name="c", subcore_axis_name="s")
  return pl.kernel(
      _sc_kernel,
      out_type=jax.ShapeDtypeStruct((N_NODES, D_FEAT), jnp.float32),
      mesh=mesh,
      scratch_types=[
          pltpu.VMEM_SHARED((N_PAD, DHALF), jnp.float32),
          pltpu.VMEM((NBATCH, BATCH), jnp.int32),
          pltpu.VMEM((NBATCH, BATCH), jnp.int32),
          [pltpu.VMEM((BATCH, DHALF), jnp.float32)
           for _ in range(RING)],
          [pltpu.SemaphoreType.DMA for _ in range(RING)],
          [pltpu.SemaphoreType.DMA for _ in range(RING)],
      ],
      compiler_params=pltpu.CompilerParams(use_tc_tiling_on_sc=False),
      name="path_add_sc",
  )(x2, src4, dst3)


def kernel(x, edge_index):
  x2 = x.reshape(NC * N_NODES, DHALF)
  src2 = edge_index[0] * 2
  src4 = jnp.stack([src2, src2 + 1]).reshape(NC, NS, NBATCH, BATCH)
  dst3 = edge_index[1].reshape(NS, NBATCH, BATCH)
  return _path_add(x2, src4, dst3)

# --- scband reference (transcript-rebuilt; emitter-appended) ---
"""Pipeline reference for scband-path-add-40003325395149 (READ-ONLY COPY).

The authoritative reference and input builder live on the scoring server;
editing this copy changes nothing except your own understanding.
"""

import jax, jax.numpy as jnp
import numpy as np

N_NODES = 10000
N_EDGES = 320000
D_FEAT = 128


def setup_inputs(seed: int = 0) -> dict:
    key = jax.random.key(seed)
    k1, k2 = jax.random.split(key)
    x = jax.random.normal(k1, (N_NODES, D_FEAT), dtype=jnp.float32)
    edge_index = jax.random.randint(k2, (2, N_EDGES), 0, N_NODES)
    return {"x": x, "edge_index": edge_index}


def reference(x, edge_index):
    # PathAdd: for each edge (src -> dst), send src node feats and sum at dst.
    # message_func: m = feats[src]
    # reduce_func:  feats[dst] = sum of mailbox messages
    # apply_node_func: identity
    src = edge_index[0]
    dst = edge_index[1]
    msgs = jnp.take(x, src, axis=0)          # gather source features per edge
    out = jax.ops.segment_sum(msgs, dst, num_segments=x.shape[0])  # scatter-add to dst
    return out

if __name__ == "__main__":
    import jax
    _d = setup_inputs()
    print(jax.jit(kernel)(*tuple(_d.values())))

</pallas_src>

<mosaic_0001>
#map = affine_map<(d0, d1) -> (0, 0)>
#map1 = affine_map<(d0, d1) -> (0, 0, 0, 0)>
#map2 = affine_map<(d0, d1) -> (0, 0, 0)>
module attributes {stable_mosaic.version = 14 : i64} {
  func.func @path_add_sc(%arg0: i32, %arg1: i32, %arg2: memref<20000x64xf32, #tpu.memory_space<hbm>>, %arg3: memref<2x16x125x160xi32, #tpu.memory_space<hbm>>, %arg4: memref<16x125x160xi32, #tpu.memory_space<hbm>>, %arg5: memref<10000x128xf32, #tpu.memory_space<hbm>>, %arg6: memref<10240x64xf32, #tpu.memory_space<vmem_shared>>, %arg7: memref<125x160xi32, #tpu.memory_space<vmem>>, %arg8: memref<125x160xi32, #tpu.memory_space<vmem>>, %arg9: memref<160x64xf32, #tpu.memory_space<vmem>>, %arg10: memref<160x64xf32, #tpu.memory_space<vmem>>, %arg11: memref<160x64xf32, #tpu.memory_space<vmem>>, %arg12: memref<160x64xf32, #tpu.memory_space<vmem>>, %arg13: memref<!tpu.dma_semaphore, #tpu.memory_space<semaphore_mem>>, %arg14: memref<!tpu.dma_semaphore, #tpu.memory_space<semaphore_mem>>, %arg15: memref<!tpu.dma_semaphore, #tpu.memory_space<semaphore_mem>>, %arg16: memref<!tpu.dma_semaphore, #tpu.memory_space<semaphore_mem>>, %arg17: memref<!tpu.dma_semaphore, #tpu.memory_space<semaphore_mem>>, %arg18: memref<!tpu.dma_semaphore, #tpu.memory_space<semaphore_mem>>, %arg19: memref<!tpu.dma_semaphore, #tpu.memory_space<semaphore_mem>>, %arg20: memref<!tpu.dma_semaphore, #tpu.memory_space<semaphore_mem>>) attributes {dimension_semantics = [#tpu.dimension_semantics<core_parallel>, #tpu.dimension_semantics<subcore_parallel>], iteration_bounds = array<i64: 2, 16>, scalar_prefetch = 0 : i64, scratch_operands = 15 : i64, tpu.core_type = #tpu.core_type<sc_vector_subcore>, window_params = [{transform_indices = #map}, {transform_indices = #map1}, {transform_indices = #map2}, {transform_indices = #map}]} {
    %mul3A = arith.constant 640 : i32
    %mul3A_0 = arith.muli %arg1, %mul3A : i32
    %dma_start3A = arith.constant 0 : i32
    %dma_start3A_1 = arith.constant 0 : i32
    %dma_start3A_2 = tpu.memref_slice %arg3[%arg0, %arg1, %dma_start3A, %dma_start3A_1] : memref<2x16x125x160xi32, #tpu.memory_space<hbm>> -> memref<1x1x125x160xi32, #tpu.memory_space<hbm>>
    %dma_start3A_3 = tpu.memref_squeeze %dma_start3A_2 : memref<1x1x125x160xi32, #tpu.memory_space<hbm>> -> memref<125x160xi32, #tpu.memory_space<hbm>>
    %dma_start3A_4 = arith.constant 0 : i32
    %dma_start3A_5 = arith.constant 0 : i32
    %dma_start3A_6 = tpu.memref_slice %arg3[%arg0, %arg1, %dma_start3A_4, %dma_start3A_5] : memref<2x16x125x160xi32, #tpu.memory_space<hbm>> -> memref<1x1x125x160xi32, #tpu.memory_space<hbm>>
    %dma_start3A_7 = tpu.memref_squeeze %dma_start3A_6 : memref<1x1x125x160xi32, #tpu.memory_space<hbm>> -> memref<125x160xi32, #tpu.memory_space<hbm>>
    tpu.enqueue_dma source(%dma_start3A_7 : memref<125x160xi32, #tpu.memory_space<hbm>>) target(%arg7 : memref<125x160xi32, #tpu.memory_space<vmem>>) target_semaphore(%arg13 : memref<!tpu.dma_semaphore, #tpu.memory_space<semaphore_mem>>)
    %dma_start3A_8 = arith.constant 0 : i32
    %dma_start3A_9 = arith.constant 0 : i32
    %dma_start3A_10 = tpu.memref_slice %arg4[%arg1, %dma_start3A_8, %dma_start3A_9] : memref<16x125x160xi32, #tpu.memory_space<hbm>> -> memref<1x125x160xi32, #tpu.memory_space<hbm>>
    %dma_start3A_11 = tpu.memref_squeeze %dma_start3A_10 : memref<1x125x160xi32, #tpu.memory_space<hbm>> -> memref<125x160xi32, #tpu.memory_space<hbm>>
    %dma_start3A_12 = arith.constant 0 : i32
    %dma_start3A_13 = arith.constant 0 : i32
    %dma_start3A_14 = tpu.memref_slice %arg4[%arg1, %dma_start3A_12, %dma_start3A_13] : memref<16x125x160xi32, #tpu.memory_space<hbm>> -> memref<1x125x160xi32, #tpu.memory_space<hbm>>
    %dma_start3A_15 = tpu.memref_squeeze %dma_start3A_14 : memref<1x125x160xi32, #tpu.memory_space<hbm>> -> memref<125x160xi32, #tpu.memory_space<hbm>>
    tpu.enqueue_dma source(%dma_start3A_15 : memref<125x160xi32, #tpu.memory_space<hbm>>) target(%arg8 : memref<125x160xi32, #tpu.memory_space<vmem>>) target_semaphore(%arg14 : memref<!tpu.dma_semaphore, #tpu.memory_space<semaphore_mem>>)
    %broadcast_in_dim3A = arith.constant 0.000000e+00 : f32
    %broadcast_in_dim3A_16 = vector.broadcast %broadcast_in_dim3A : f32 to vector<16xf32>
    %scan3A = arith.constant 0 : i32
    %scan3A_17 = arith.constant 0 : i32
    %scan3A_18 = arith.constant 160 : i32
    %scan3A_19 = arith.addi %scan3A_17, %scan3A_18 : i32
    %scan3A_20 = arith.constant 1 : i32
    scf.for %scan3A_99 = %scan3A_17 to %scan3A_19 step %scan3A_20  : i32 {
      %swap3A = arith.index_cast %scan3A_99 : i32 to index
      %swap3A_100 = arith.constant 0 : index
      %swap3A_101 = tpu.vector_load %arg12[%swap3A, %swap3A_100] {strides = array<i32>} : memref<160x64xf32, #tpu.memory_space<vmem>>, vector<1x16xf32>,
      %swap3A_102 = vector.shape_cast %swap3A_101 : vector<1x16xf32> to vector<16xf32>
      %swap3A_103 = vector.shape_cast %broadcast_in_dim3A_16 : vector<16xf32> to vector<1x16xf32>
      tpu.vector_store %arg12[%swap3A, %swap3A_100], %swap3A_103 {strides = array<i32>} : memref<160x64xf32, #tpu.memory_space<vmem>>, vector<1x16xf32>,
      %swap3A_104 = arith.index_cast %scan3A_99 : i32 to index
      %swap3A_105 = arith.constant 16 : index
      %swap3A_106 = tpu.vector_load %arg12[%swap3A_104, %swap3A_105] {strides = array<i32>} : memref<160x64xf32, #tpu.memory_space<vmem>>, vector<1x16xf32>,
      %swap3A_107 = vector.shape_cast %swap3A_106 : vector<1x16xf32> to vector<16xf32>
      %swap3A_108 = vector.shape_cast %broadcast_in_dim3A_16 : vector<16xf32> to vector<1x16xf32>
      tpu.vector_store %arg12[%swap3A_104, %swap3A_105], %swap3A_108 {strides = array<i32>} : memref<160x64xf32, #tpu.memory_space<vmem>>, vector<1x16xf32>,
      %swap3A_109 = arith.index_cast %scan3A_99 : i32 to index
      %swap3A_110 = arith.constant 32 : index
      %swap3A_111 = tpu.vector_load %arg12[%swap3A_109, %swap3A_110] {strides = array<i32>} : memref<160x64xf32, #tpu.memory_space<vmem>>, vector<1x16xf32>,
      %swap3A_112 = vector.shape_cast %swap3A_111 : vector<1x16xf32> to vector<16xf32>
      %swap3A_113 = vector.shape_cast %broadcast_in_dim3A_16 : vector<16xf32> to vector<1x16xf32>
      tpu.vector_store %arg12[%swap3A_109, %swap3A_110], %swap3A_113 {strides = array<i32>} : memref<160x64xf32, #tpu.memory_space<vmem>>, vector<1x16xf32>,
      %swap3A_114 = arith.index_cast %scan3A_99 : i32 to index
      %swap3A_115 = arith.constant 48 : index
      %swap3A_116 = tpu.vector_load %arg12[%swap3A_114, %swap3A_115] {strides = array<i32>} : memref<160x64xf32, #tpu.memory_space<vmem>>, vector<1x16xf32>,
      %swap3A_117 = vector.shape_cast %swap3A_116 : vector<1x16xf32> to vector<16xf32>
      %swap3A_118 = vector.shape_cast %broadcast_in_dim3A_16 : vector<16xf32> to vector<1x16xf32>
      tpu.vector_store %arg12[%swap3A_114, %swap3A_115], %swap3A_118 {strides = array<i32>} : memref<160x64xf32, #tpu.memory_space<vmem>>, vector<1x16xf32>,
    }
    %scan3A_21 = arith.constant 160 : i32
    %dma_wait3A = arith.constant 0 : i32
    %dma_wait3A_22 = arith.constant 0 : i32
    %dma_wait3A_23 = tpu.memref_slice %arg3[%arg0, %arg1, %dma_wait3A, %dma_wait3A_22] : memref<2x16x125x160xi32, #tpu.memory_space<hbm>> -> memref<1x1x125x160xi32, #tpu.memory_space<hbm>>
    %dma_wait3A_24 = tpu.memref_squeeze %dma_wait3A_23 : memref<1x1x125x160xi32, #tpu.memory_space<hbm>> -> memref<125x160xi32, #tpu.memory_space<hbm>>
    %dma_wait3A_25 = arith.constant 0 : i32
    %dma_wait3A_26 = arith.constant 0 : i32
    %dma_wait3A_27 = tpu.memref_slice %arg3[%arg0, %arg1, %dma_wait3A_25, %dma_wait3A_26] : memref<2x16x125x160xi32, #tpu.memory_space<hbm>> -> memref<1x1x125x160xi32, #tpu.memory_space<hbm>>
    %dma_wait3A_28 = tpu.memref_squeeze %dma_wait3A_27 : memref<1x1x125x160xi32, #tpu.memory_space<hbm>> -> memref<125x160xi32, #tpu.memory_space<hbm>>
    tpu.wait_dma2 semaphore(%arg13 : memref<!tpu.dma_semaphore, #tpu.memory_space<semaphore_mem>>) src(%dma_wait3A_28 : memref<125x160xi32, #tpu.memory_space<hbm>>) dst(%arg7 : memref<125x160xi32, #tpu.memory_space<vmem>>)
    %dma_start3A_29 = arith.constant 0 : i32
    %dma_start3A_30 = arith.constant 0 : i32
    %dma_start3A_31 = tpu.memref_slice %arg7[%dma_start3A_29, %dma_start3A_30] : memref<125x160xi32, #tpu.memory_space<vmem>> -> memref<1x160xi32, #tpu.memory_space<vmem>>
    %dma_start3A_32 = tpu.memref_squeeze %dma_start3A_31 : memref<1x160xi32, #tpu.memory_space<vmem>> -> memref<160xi32, #tpu.memory_space<vmem>>
    %dma_start3A_33 = arith.constant 0 : i32
    %dma_start3A_34 = arith.constant 0 : i32
    %dma_start3A_35 = tpu.memref_slice %arg2[%dma_start3A_33, %dma_start3A_34] : memref<20000x64xf32, #tpu.memory_space<hbm>> -> memref<20000x64xf32, #tpu.memory_space<hbm>>
    tpu.enqueue_indirect_dma source(%dma_start3A_35 : memref<20000x64xf32, #tpu.memory_space<hbm>>) target(%arg9 : memref<160x64xf32, #tpu.memory_space<vmem>>) offsets(%dma_start3A_32 : memref<160xi32, #tpu.memory_space<vmem>>) semaphore(%arg13 : memref<!tpu.dma_semaphore, #tpu.memory_space<semaphore_mem>>)
    %dma_start3A_36 = arith.constant 1 : i32
    %dma_start3A_37 = arith.constant 0 : i32
    %dma_start3A_38 = tpu.memref_slice %arg7[%dma_start3A_36, %dma_start3A_37] : memref<125x160xi32, #tpu.memory_space<vmem>> -> memref<1x160xi32, #tpu.memory_space<vmem>>
    %dma_start3A_39 = tpu.memref_squeeze %dma_start3A_38 : memref<1x160xi32, #tpu.memory_space<vmem>> -> memref<160xi32, #tpu.memory_space<vmem>>
    %dma_start3A_40 = arith.constant 0 : i32
    %dma_start3A_41 = arith.constant 0 : i32
    %dma_start3A_42 = tpu.memref_slice %arg2[%dma_start3A_40, %dma_start3A_41] : memref<20000x64xf32, #tpu.memory_space<hbm>> -> memref<20000x64xf32, #tpu.memory_space<hbm>>
    tpu.enqueue_indirect_dma source(%dma_start3A_42 : memref<20000x64xf32, #tpu.memory_space<hbm>>) target(%arg10 : memref<160x64xf32, #tpu.memory_space<vmem>>) offsets(%dma_start3A_39 : memref<160xi32, #tpu.memory_space<vmem>>) semaphore(%arg14 : memref<!tpu.dma_semaphore, #tpu.memory_space<semaphore_mem>>)
    %add3A = arith.constant 0 : i32
    %add3A_43 = arith.addi %mul3A_0, %add3A : i32
    "tpu.region"() ({
      %run_scoped3A = tpu.sem_alloc : memref<!tpu.dma_semaphore, #tpu.memory_space<semaphore_mem>>
      %dma_start3A_99 = arith.constant 0 : i32
      %dma_start3A_100 = tpu.memref_slice %arg6[%add3A_43, %dma_start3A_99] : memref<10240x64xf32, #tpu.memory_space<vmem_shared>> -> memref<160x64xf32, #tpu.memory_space<vmem_shared>>
      %dma_start3A_101 = arith.constant 0 : i32
      %dma_start3A_102 = tpu.memref_slice %arg6[%add3A_43, %dma_start3A_101] : memref<10240x64xf32, #tpu.memory_space<vmem_shared>> -> memref<160x64xf32, #tpu.memory_space<vmem_shared>>
      tpu.enqueue_dma source(%arg12 : memref<160x64xf32, #tpu.memory_space<vmem>>) target(%dma_start3A_102 : memref<160x64xf32, #tpu.memory_space<vmem_shared>>) target_semaphore(%run_scoped3A : memref<!tpu.dma_semaphore, #tpu.memory_space<semaphore_mem>>)
      %dma_wait3A_103 = arith.constant 0 : i32
      %dma_wait3A_104 = tpu.memref_slice %arg6[%add3A_43, %dma_wait3A_103] : memref<10240x64xf32, #tpu.memory_space<vmem_shared>> -> memref<160x64xf32, #tpu.memory_space<vmem_shared>>
      %dma_wait3A_105 = arith.constant 0 : i32
      %dma_wait3A_106 = tpu.memref_slice %arg6[%add3A_43, %dma_wait3A_105] : memref<10240x64xf32, #tpu.memory_space<vmem_shared>> -> memref<160x64xf32, #tpu.memory_space<vmem_shared>>
      tpu.wait_dma2 semaphore(%run_scoped3A : memref<!tpu.dma_semaphore, #tpu.memory_space<semaphore_mem>>) src(%arg12 : memref<160x64xf32, #tpu.memory_space<vmem>>) dst(%dma_wait3A_106 : memref<160x64xf32, #tpu.memory_space<vmem_shared>>)
      tpu.yield
    }) : () -> ()
    %add3A_44 = arith.constant 160 : i32
    %add3A_45 = arith.addi %mul3A_0, %add3A_44 : i32
    "tpu.region"() ({
      %run_scoped3A = tpu.sem_alloc : memref<!tpu.dma_semaphore, #tpu.memory_space<semaphore_mem>>
      %dma_start3A_99 = arith.constant 0 : i32
      %dma_start3A_100 = tpu.memref_slice %arg6[%add3A_45, %dma_start3A_99] : memref<10240x64xf32, #tpu.memory_space<vmem_shared>> -> memref<160x64xf32, #tpu.memory_space<vmem_shared>>
      %dma_start3A_101 = arith.constant 0 : i32
      %dma_start3A_102 = tpu.memref_slice %arg6[%add3A_45, %dma_start3A_101] : memref<10240x64xf32, #tpu.memory_space<vmem_shared>> -> memref<160x64xf32, #tpu.memory_space<vmem_shared>>
      tpu.enqueue_dma source(%arg12 : memref<160x64xf32, #tpu.memory_space<vmem>>) target(%dma_start3A_102 : memref<160x64xf32, #tpu.memory_space<vmem_shared>>) target_semaphore(%run_scoped3A : memref<!tpu.dma_semaphore, #tpu.memory_space<semaphore_mem>>)
      %dma_wait3A_103 = arith.constant 0 : i32
      %dma_wait3A_104 = tpu.memref_slice %arg6[%add3A_45, %dma_wait3A_103] : memref<10240x64xf32, #tpu.memory_space<vmem_shared>> -> memref<160x64xf32, #tpu.memory_space<vmem_shared>>
      %dma_wait3A_105 = arith.constant 0 : i32
      %dma_wait3A_106 = tpu.memref_slice %arg6[%add3A_45, %dma_wait3A_105] : memref<10240x64xf32, #tpu.memory_space<vmem_shared>> -> memref<160x64xf32, #tpu.memory_space<vmem_shared>>
      tpu.wait_dma2 semaphore(%run_scoped3A : memref<!tpu.dma_semaphore, #tpu.memory_space<semaphore_mem>>) src(%arg12 : memref<160x64xf32, #tpu.memory_space<vmem>>) dst(%dma_wait3A_106 : memref<160x64xf32, #tpu.memory_space<vmem_shared>>)
      tpu.yield
    }) : () -> ()
    %add3A_46 = arith.constant 320 : i32
    %add3A_47 = arith.addi %mul3A_0, %add3A_46 : i32
    "tpu.region"() ({
      %run_scoped3A = tpu.sem_alloc : memref<!tpu.dma_semaphore, #tpu.memory_space<semaphore_mem>>
      %dma_start3A_99 = arith.constant 0 : i32
      %dma_start3A_100 = tpu.memref_slice %arg6[%add3A_47, %dma_start3A_99] : memref<10240x64xf32, #tpu.memory_space<vmem_shared>> -> memref<160x64xf32, #tpu.memory_space<vmem_shared>>
      %dma_start3A_101 = arith.constant 0 : i32
      %dma_start3A_102 = tpu.memref_slice %arg6[%add3A_47, %dma_start3A_101] : memref<10240x64xf32, #tpu.memory_space<vmem_shared>> -> memref<160x64xf32, #tpu.memory_space<vmem_shared>>
      tpu.enqueue_dma source(%arg12 : memref<160x64xf32, #tpu.memory_space<vmem>>) target(%dma_start3A_102 : memref<160x64xf32, #tpu.memory_space<vmem_shared>>) target_semaphore(%run_scoped3A : memref<!tpu.dma_semaphore, #tpu.memory_space<semaphore_mem>>)
      %dma_wait3A_103 = arith.constant 0 : i32
      %dma_wait3A_104 = tpu.memref_slice %arg6[%add3A_47, %dma_wait3A_103] : memref<10240x64xf32, #tpu.memory_space<vmem_shared>> -> memref<160x64xf32, #tpu.memory_space<vmem_shared>>
      %dma_wait3A_105 = arith.constant 0 : i32
      %dma_wait3A_106 = tpu.memref_slice %arg6[%add3A_47, %dma_wait3A_105] : memref<10240x64xf32, #tpu.memory_space<vmem_shared>> -> memref<160x64xf32, #tpu.memory_space<vmem_shared>>
      tpu.wait_dma2 semaphore(%run_scoped3A : memref<!tpu.dma_semaphore, #tpu.memory_space<semaphore_mem>>) src(%arg12 : memref<160x64xf32, #tpu.memory_space<vmem>>) dst(%dma_wait3A_106 : memref<160x64xf32, #tpu.memory_space<vmem_shared>>)
      tpu.yield
    }) : () -> ()
    %add3A_48 = arith.constant 480 : i32
    %add3A_49 = arith.addi %mul3A_0, %add3A_48 : i32
    "tpu.region"() ({
      %run_scoped3A = tpu.sem_alloc : memref<!tpu.dma_semaphore, #tpu.memory_space<semaphore_mem>>
      %dma_start3A_99 = arith.constant 0 : i32
      %dma_start3A_100 = tpu.memref_slice %arg6[%add3A_49, %dma_start3A_99] : memref<10240x64xf32, #tpu.memory_space<vmem_shared>> -> memref<160x64xf32, #tpu.memory_space<vmem_shared>>
      %dma_start3A_101 = arith.constant 0 : i32
      %dma_start3A_102 = tpu.memref_slice %arg6[%add3A_49, %dma_start3A_101] : memref<10240x64xf32, #tpu.memory_space<vmem_shared>> -> memref<160x64xf32, #tpu.memory_space<vmem_shared>>
      tpu.enqueue_dma source(%arg12 : memref<160x64xf32, #tpu.memory_space<vmem>>) target(%dma_start3A_102 : memref<160x64xf32, #tpu.memory_space<vmem_shared>>) target_semaphore(%run_scoped3A : memref<!tpu.dma_semaphore, #tpu.memory_space<semaphore_mem>>)
      %dma_wait3A_103 = arith.constant 0 : i32
      %dma_wait3A_104 = tpu.memref_slice %arg6[%add3A_49, %dma_wait3A_103] : memref<10240x64xf32, #tpu.memory_space<vmem_shared>> -> memref<160x64xf32, #tpu.memory_space<vmem_shared>>
      %dma_wait3A_105 = arith.constant 0 : i32
      %dma_wait3A_106 = tpu.memref_slice %arg6[%add3A_49, %dma_wait3A_105] : memref<10240x64xf32, #tpu.memory_space<vmem_shared>> -> memref<160x64xf32, #tpu.memory_space<vmem_shared>>
      tpu.wait_dma2 semaphore(%run_scoped3A : memref<!tpu.dma_semaphore, #tpu.memory_space<semaphore_mem>>) src(%arg12 : memref<160x64xf32, #tpu.memory_space<vmem>>) dst(%dma_wait3A_106 : memref<160x64xf32, #tpu.memory_space<vmem_shared>>)
      tpu.yield
    }) : () -> ()
    %dma_wait3A_50 = arith.constant 0 : i32
    %dma_wait3A_51 = arith.constant 0 : i32
    %dma_wait3A_52 = tpu.memref_slice %arg4[%arg1, %dma_wait3A_50, %dma_wait3A_51] : memref<16x125x160xi32, #tpu.memory_space<hbm>> -> memref<1x125x160xi32, #tpu.memory_space<hbm>>
    %dma_wait3A_53 = tpu.memref_squeeze %dma_wait3A_52 : memref<1x125x160xi32, #tpu.memory_space<hbm>> -> memref<125x160xi32, #tpu.memory_space<hbm>>
    %dma_wait3A_54 = arith.constant 0 : i32
    %dma_wait3A_55 = arith.constant 0 : i32
    %dma_wait3A_56 = tpu.memref_slice %arg4[%arg1, %dma_wait3A_54, %dma_wait3A_55] : memref<16x125x160xi32, #tpu.memory_space<hbm>> -> memref<1x125x160xi32, #tpu.memory_space<hbm>>
    %dma_wait3A_57 = tpu.memref_squeeze %dma_wait3A_56 : memref<1x125x160xi32, #tpu.memory_space<hbm>> -> memref<125x160xi32, #tpu.memory_space<hbm>>
    tpu.wait_dma2 semaphore(%arg14 : memref<!tpu.dma_semaphore, #tpu.memory_space<semaphore_mem>>) src(%dma_wait3A_57 : memref<125x160xi32, #tpu.memory_space<hbm>>) dst(%arg8 : memref<125x160xi32, #tpu.memory_space<vmem>>)
    %barrier3A = arith.constant 0 : index
    tpu.barrier barrier_id(%barrier3A)
    %scan3A_58 = arith.constant 0 : i32
    %scan3A_59 = arith.constant 0 : i32
    %scan3A_60 = arith.constant 31 : i32
    %scan3A_61 = arith.addi %scan3A_59, %scan3A_60 : i32
    %scan3A_62 = arith.constant 1 : i32
    scf.for %scan3A_99 = %scan3A_59 to %scan3A_61 step %scan3A_62  : i32 {
      %mul3A_100 = arith.constant 4 : i32
      %mul3A_101 = arith.muli %scan3A_99, %mul3A_100 : i32
      %add3A_102 = arith.constant 2 : i32
      %add3A_103 = arith.addi %mul3A_101, %add3A_102 : i32
      %add3A_104 = arith.constant 0 : i32
      %add3A_105 = arith.addi %add3A_103, %add3A_104 : i32
      %dma_start3A_106 = arith.constant 0 : i32
      %dma_start3A_107 = tpu.memref_slice %arg7[%add3A_105, %dma_start3A_106] : memref<125x160xi32, #tpu.memory_space<vmem>> -> memref<1x160xi32, #tpu.memory_space<vmem>>
      %dma_start3A_108 = tpu.memref_squeeze %dma_start3A_107 : memref<1x160xi32, #tpu.memory_space<vmem>> -> memref<160xi32, #tpu.memory_space<vmem>>
      %dma_start3A_109 = arith.constant 0 : i32
      %dma_start3A_110 = arith.constant 0 : i32
      %dma_start3A_111 = tpu.memref_slice %arg2[%dma_start3A_109, %dma_start3A_110] : memref<20000x64xf32, #tpu.memory_space<hbm>> -> memref<20000x64xf32, #tpu.memory_space<hbm>>
      tpu.enqueue_indirect_dma source(%dma_start3A_111 : memref<20000x64xf32, #tpu.memory_space<hbm>>) target(%arg11 : memref<160x64xf32, #tpu.memory_space<vmem>>) offsets(%dma_start3A_108 : memref<160xi32, #tpu.memory_space<vmem>>) semaphore(%arg15 : memref<!tpu.dma_semaphore, #tpu.memory_space<semaphore_mem>>)
      %add3A_112 = arith.constant 1 : i32
      %add3A_113 = arith.addi %add3A_103, %add3A_112 : i32
      %dma_start3A_114 = arith.constant 0 : i32
      %dma_start3A_115 = tpu.memref_slice %arg7[%add3A_113, %dma_start3A_114] : memref<125x160xi32, #tpu.memory_space<vmem>> -> memref<1x160xi32, #tpu.memory_space<vmem>>
      %dma_start3A_116 = tpu.memref_squeeze %dma_start3A_115 : memref<1x160xi32, #tpu.memory_space<vmem>> -> memref<160xi32, #tpu.memory_space<vmem>>
      %dma_start3A_117 = arith.constant 0 : i32
      %dma_start3A_118 = arith.constant 0 : i32
      %dma_start3A_119 = tpu.memref_slice %arg2[%dma_start3A_117, %dma_start3A_118] : memref<20000x64xf32, #tpu.memory_space<hbm>> -> memref<20000x64xf32, #tpu.memory_space<hbm>>
      tpu.enqueue_indirect_dma source(%dma_start3A_119 : memref<20000x64xf32, #tpu.memory_space<hbm>>) target(%arg12 : memref<160x64xf32, #tpu.memory_space<vmem>>) offsets(%dma_start3A_116 : memref<160xi32, #tpu.memory_space<vmem>>) semaphore(%arg16 : memref<!tpu.dma_semaphore, #tpu.memory_space<semaphore_mem>>)
      %add3A_120 = arith.constant 0 : i32
      %add3A_121 = arith.addi %mul3A_101, %add3A_120 : i32
      %dma_wait3A_122 = arith.constant 0 : i32
      %dma_wait3A_123 = tpu.memref_slice %arg7[%add3A_121, %dma_wait3A_122] : memref<125x160xi32, #tpu.memory_space<vmem>> -> memref<1x160xi32, #tpu.memory_space<vmem>>
      %dma_wait3A_124 = tpu.memref_squeeze %dma_wait3A_123 : memref<1x160xi32, #tpu.memory_space<vmem>> -> memref<160xi32, #tpu.memory_space<vmem>>
      %dma_wait3A_125 = arith.constant 0 : i32
      %dma_wait3A_126 = arith.constant 0 : i32
      %dma_wait3A_127 = tpu.memref_slice %arg2[%dma_wait3A_125, %dma_wait3A_126] : memref<20000x64xf32, #tpu.memory_space<hbm>> -> memref<20000x64xf32, #tpu.memory_space<hbm>>
      tpu.wait_indirect_dma semaphore(%arg13 : memref<!tpu.dma_semaphore, #tpu.memory_space<semaphore_mem>>) src(%dma_wait3A_127 : memref<20000x64xf32, #tpu.memory_space<hbm>>) dst(%arg9 : memref<160x64xf32, #tpu.memory_space<vmem>>)
      %add3A_128 = arith.constant 0 : i32
      %add3A_129 = arith.addi %mul3A_101, %add3A_128 : i32
      %dma_start3A_130 = arith.constant 0 : i32
      %dma_start3A_131 = tpu.memref_slice %arg8[%add3A_129, %dma_start3A_130] : memref<125x160xi32, #tpu.memory_space<vmem>> -> memref<1x160xi32, #tpu.memory_space<vmem>>
      %dma_start3A_132 = tpu.memref_squeeze %dma_start3A_131 : memref<1x160xi32, #tpu.memory_space<vmem>> -> memref<160xi32, #tpu.memory_space<vmem>>
      %dma_start3A_133 = arith.constant 0 : i32
      %dma_start3A_134 = arith.constant 0 : i32
      %dma_start3A_135 = tpu.memref_slice %arg6[%dma_start3A_133, %dma_start3A_134] : memref<10240x64xf32, #tpu.memory_space<vmem_shared>> -> memref<10240x64xf32, #tpu.memory_space<vmem_shared>>
      tpu.enqueue_indirect_dma source(%arg9 : memref<160x64xf32, #tpu.memory_space<vmem>>) target(%dma_start3A_135 : memref<10240x64xf32, #tpu.memory_space<vmem_shared>>) offsets(%dma_start3A_132 : memref<160xi32, #tpu.memory_space<vmem>>) semaphore(%arg17 : memref<!tpu.dma_semaphore, #tpu.memory_space<semaphore_mem>>) {add = true}
      %add3A_136 = arith.constant 1 : i32
      %add3A_137 = arith.addi %mul3A_101, %add3A_136 : i32
      %dma_wait3A_138 = arith.constant 0 : i32
      %dma_wait3A_139 = tpu.memref_slice %arg7[%add3A_137, %dma_wait3A_138] : memref<125x160xi32, #tpu.memory_space<vmem>> -> memref<1x160xi32, #tpu.memory_space<vmem>>
      %dma_wait3A_140 = tpu.memref_squeeze %dma_wait3A_139 : memref<1x160xi32, #tpu.memory_space<vmem>> -> memref<160xi32, #tpu.memory_space<vmem>>
      %dma_wait3A_141 = arith.constant 0 : i32
      %dma_wait3A_142 = arith.constant 0 : i32
      %dma_wait3A_143 = tpu.memref_slice %arg2[%dma_wait3A_141, %dma_wait3A_142] : memref<20000x64xf32, #tpu.memory_space<hbm>> -> memref<20000x64xf32, #tpu.memory_space<hbm>>
      tpu.wait_indirect_dma semaphore(%arg14 : memref<!tpu.dma_semaphore, #tpu.memory_space<semaphore_mem>>) src(%dma_wait3A_143 : memref<20000x64xf32, #tpu.memory_space<hbm>>) dst(%arg10 : memref<160x64xf32, #tpu.memory_space<vmem>>)
      %add3A_144 = arith.constant 1 : i32
      %add3A_145 = arith.addi %mul3A_101, %add3A_144 : i32
      %dma_start3A_146 = arith.constant 0 : i32
      %dma_start3A_147 = tpu.memref_slice %arg8[%add3A_145, %dma_start3A_146] : memref<125x160xi32, #tpu.memory_space<vmem>> -> memref<1x160xi32, #tpu.memory_space<vmem>>
      %dma_start3A_148 = tpu.memref_squeeze %dma_start3A_147 : memref<1x160xi32, #tpu.memory_space<vmem>> -> memref<160xi32, #tpu.memory_space<vmem>>
      %dma_start3A_149 = arith.constant 0 : i32
      %dma_start3A_150 = arith.constant 0 : i32
      %dma_start3A_151 = tpu.memref_slice %arg6[%dma_start3A_149, %dma_start3A_150] : memref<10240x64xf32, #tpu.memory_space<vmem_shared>> -> memref<10240x64xf32, #tpu.memory_space<vmem_shared>>
      tpu.enqueue_indirect_dma source(%arg10 : memref<160x64xf32, #tpu.memory_space<vmem>>) target(%dma_start3A_151 : memref<10240x64xf32, #tpu.memory_space<vmem_shared>>) offsets(%dma_start3A_148 : memref<160xi32, #tpu.memory_space<vmem>>) semaphore(%arg18 : memref<!tpu.dma_semaphore, #tpu.memory_space<semaphore_mem>>) {add = true}
      %add3A_152 = arith.constant 0 : i32
      %add3A_153 = arith.addi %mul3A_101, %add3A_152 : i32
      %dma_wait3A_154 = arith.constant 0 : i32
      %dma_wait3A_155 = tpu.memref_slice %arg8[%add3A_153, %dma_wait3A_154] : memref<125x160xi32, #tpu.memory_space<vmem>> -> memref<1x160xi32, #tpu.memory_space<vmem>>
      %dma_wait3A_156 = tpu.memref_squeeze %dma_wait3A_155 : memref<1x160xi32, #tpu.memory_space<vmem>> -> memref<160xi32, #tpu.memory_space<vmem>>
      %dma_wait3A_157 = arith.constant 0 : i32
      %dma_wait3A_158 = arith.constant 0 : i32
      %dma_wait3A_159 = tpu.memref_slice %arg6[%dma_wait3A_157, %dma_wait3A_158] : memref<10240x64xf32, #tpu.memory_space<vmem_shared>> -> memref<10240x64xf32, #tpu.memory_space<vmem_shared>>
      tpu.wait_indirect_dma semaphore(%arg17 : memref<!tpu.dma_semaphore, #tpu.memory_space<semaphore_mem>>) src(%arg9 : memref<160x64xf32, #tpu.memory_space<vmem>>) dst(%dma_wait3A_159 : memref<10240x64xf32, #tpu.memory_space<vmem_shared>>)
      %add3A_160 = arith.constant 1 : i32
      %add3A_161 = arith.addi %mul3A_101, %add3A_160 : i32
      %dma_wait3A_162 = arith.constant 0 : i32
      %dma_wait3A_163 = tpu.memref_slice %arg8[%add3A_161, %dma_wait3A_162] : memref<125x160xi32, #tpu.memory_space<vmem>> -> memref<1x160xi32, #tpu.memory_space<vmem>>
      %dma_wait3A_164 = tpu.memref_squeeze %dma_wait3A_163 : memref<1x160xi32, #tpu.memory_space<vmem>> -> memref<160xi32, #tpu.memory_space<vmem>>
      %dma_wait3A_165 = arith.constant 0 : i32
      %dma_wait3A_166 = arith.constant 0 : i32
      %dma_wait3A_167 = tpu.memref_slice %arg6[%dma_wait3A_165, %dma_wait3A_166] : memref<10240x64xf32, #tpu.memory_space<vmem_shared>> -> memref<10240x64xf32, #tpu.memory_space<vmem_shared>>
      tpu.wait_indirect_dma semaphore(%arg18 : memref<!tpu.dma_semaphore, #tpu.memory_space<semaphore_mem>>) src(%arg10 : memref<160x64xf32, #tpu.memory_space<vmem>>) dst(%dma_wait3A_167 : memref<10240x64xf32, #tpu.memory_space<vmem_shared>>)
      %lt3A_168 = arith.constant 30 : i32
      %lt3A_169 = arith.cmpi slt, %scan3A_99, %lt3A_168 : i32
      %convert_element_type3A_170 = arith.extui %lt3A_169 : i1 to i32
      %cond3A_171 = arith.constant 0 : i32
      %cond3A_172 = arith.cmpi ne, %convert_element_type3A_170, %cond3A_171 : i32
      scf.if %cond3A_172 {
        %add3A_221 = arith.constant 4 : i32
        %add3A_222 = arith.addi %mul3A_101, %add3A_221 : i32
        %add3A_223 = arith.constant 0 : i32
        %add3A_224 = arith.addi %add3A_222, %add3A_223 : i32
        %dma_start3A_225 = arith.constant 0 : i32
        %dma_start3A_226 = tpu.memref_slice %arg7[%add3A_224, %dma_start3A_225] : memref<125x160xi32, #tpu.memory_space<vmem>> -> memref<1x160xi32, #tpu.memory_space<vmem>>
        %dma_start3A_227 = tpu.memref_squeeze %dma_start3A_226 : memref<1x160xi32, #tpu.memory_space<vmem>> -> memref<160xi32, #tpu.memory_space<vmem>>
        %dma_start3A_228 = arith.constant 0 : i32
        %dma_start3A_229 = arith.constant 0 : i32
        %dma_start3A_230 = tpu.memref_slice %arg2[%dma_start3A_228, %dma_start3A_229] : memref<20000x64xf32, #tpu.memory_space<hbm>> -> memref<20000x64xf32, #tpu.memory_space<hbm>>
        tpu.enqueue_indirect_dma source(%dma_start3A_230 : memref<20000x64xf32, #tpu.memory_space<hbm>>) target(%arg9 : memref<160x64xf32, #tpu.memory_space<vmem>>) offsets(%dma_start3A_227 : memref<160xi32, #tpu.memory_space<vmem>>) semaphore(%arg13 : memref<!tpu.dma_semaphore, #tpu.memory_space<semaphore_mem>>)
        %add3A_231 = arith.constant 4 : i32
        %add3A_232 = arith.addi %mul3A_101, %add3A_231 : i32
        %add3A_233 = arith.constant 1 : i32
        %add3A_234 = arith.addi %add3A_232, %add3A_233 : i32
        %dma_start3A_235 = arith.constant 0 : i32
        %dma_start3A_236 = tpu.memref_slice %arg7[%add3A_234, %dma_start3A_235] : memref<125x160xi32, #tpu.memory_space<vmem>> -> memref<1x160xi32, #tpu.memory_space<vmem>>
        %dma_start3A_237 = tpu.memref_squeeze %dma_start3A_236 : memref<1x160xi32, #tpu.memory_space<vmem>> -> memref<160xi32, #tpu.memory_space<vmem>>
        %dma_start3A_238 = arith.constant 0 : i32
        %dma_start3A_239 = arith.constant 0 : i32
        %dma_start3A_240 = tpu.memref_slice %arg2[%dma_start3A_238, %dma_start3A_239] : memref<20000x64xf32, #tpu.memory_space<hbm>> -> memref<20000x64xf32, #tpu.memory_space<hbm>>
        tpu.enqueue_indirect_dma source(%dma_start3A_240 : memref<20000x64xf32, #tpu.memory_space<hbm>>) target(%arg10 : memref<160x64xf32, #tpu.memory_space<vmem>>) offsets(%dma_start3A_237 : memref<160xi32, #tpu.memory_space<vmem>>) semaphore(%arg14 : memref<!tpu.dma_semaphore, #tpu.memory_space<semaphore_mem>>)
      } else {
      }
      %add3A_173 = arith.constant 0 : i32
      %add3A_174 = arith.addi %add3A_103, %add3A_173 : i32
      %dma_wait3A_175 = arith.constant 0 : i32
      %dma_wait3A_176 = tpu.memref_slice %arg7[%add3A_174, %dma_wait3A_175] : memref<125x160xi32, #tpu.memory_space<vmem>> -> memref<1x160xi32, #tpu.memory_space<vmem>>
      %dma_wait3A_177 = tpu.memref_squeeze %dma_wait3A_176 : memref<1x160xi32, #tpu.memory_space<vmem>> -> memref<160xi32, #tpu.memory_space<vmem>>
      %dma_wait3A_178 = arith.constant 0 : i32
      %dma_wait3A_179 = arith.constant 0 : i32
      %dma_wait3A_180 = tpu.memref_slice %arg2[%dma_wait3A_178, %dma_wait3A_179] : memref<20000x64xf32, #tpu.memory_space<hbm>> -> memref<20000x64xf32, #tpu.memory_space<hbm>>
      tpu.wait_indirect_dma semaphore(%arg15 : memref<!tpu.dma_semaphore, #tpu.memory_space<semaphore_mem>>) src(%dma_wait3A_180 : memref<20000x64xf32, #tpu.memory_space<hbm>>) dst(%arg11 : memref<160x64xf32, #tpu.memory_space<vmem>>)
      %add3A_181 = arith.constant 0 : i32
      %add3A_182 = arith.addi %add3A_103, %add3A_181 : i32
      %dma_start3A_183 = arith.constant 0 : i32
      %dma_start3A_184 = tpu.memref_slice %arg8[%add3A_182, %dma_start3A_183] : memref<125x160xi32, #tpu.memory_space<vmem>> -> memref<1x160xi32, #tpu.memory_space<vmem>>
      %dma_start3A_185 = tpu.memref_squeeze %dma_start3A_184 : memref<1x160xi32, #tpu.memory_space<vmem>> -> memref<160xi32, #tpu.memory_space<vmem>>
      %dma_start3A_186 = arith.constant 0 : i32
      %dma_start3A_187 = arith.constant 0 : i32
      %dma_start3A_188 = tpu.memref_slice %arg6[%dma_start3A_186, %dma_start3A_187] : memref<10240x64xf32, #tpu.memory_space<vmem_shared>> -> memref<10240x64xf32, #tpu.memory_space<vmem_shared>>
      tpu.enqueue_indirect_dma source(%arg11 : memref<160x64xf32, #tpu.memory_space<vmem>>) target(%dma_start3A_188 : memref<10240x64xf32, #tpu.memory_space<vmem_shared>>) offsets(%dma_start3A_185 : memref<160xi32, #tpu.memory_space<vmem>>) semaphore(%arg19 : memref<!tpu.dma_semaphore, #tpu.memory_space<semaphore_mem>>) {add = true}
      %add3A_189 = arith.constant 1 : i32
      %add3A_190 = arith.addi %add3A_103, %add3A_189 : i32
      %dma_wait3A_191 = arith.constant 0 : i32
      %dma_wait3A_192 = tpu.memref_slice %arg7[%add3A_190, %dma_wait3A_191] : memref<125x160xi32, #tpu.memory_space<vmem>> -> memref<1x160xi32, #tpu.memory_space<vmem>>
      %dma_wait3A_193 = tpu.memref_squeeze %dma_wait3A_192 : memref<1x160xi32, #tpu.memory_space<vmem>> -> memref<160xi32, #tpu.memory_space<vmem>>
      %dma_wait3A_194 = arith.constant 0 : i32
      %dma_wait3A_195 = arith.constant 0 : i32
      %dma_wait3A_196 = tpu.memref_slice %arg2[%dma_wait3A_194, %dma_wait3A_195] : memref<20000x64xf32, #tpu.memory_space<hbm>> -> memref<20000x64xf32, #tpu.memory_space<hbm>>
      tpu.wait_indirect_dma semaphore(%arg16 : memref<!tpu.dma_semaphore, #tpu.memory_space<semaphore_mem>>) src(%dma_wait3A_196 : memref<20000x64xf32, #tpu.memory_space<hbm>>) dst(%arg12 : memref<160x64xf32, #tpu.memory_space<vmem>>)
      %add3A_197 = arith.constant 1 : i32
      %add3A_198 = arith.addi %add3A_103, %add3A_197 : i32
      %dma_start3A_199 = arith.constant 0 : i32
      %dma_start3A_200 = tpu.memref_slice %arg8[%add3A_198, %dma_start3A_199] : memref<125x160xi32, #tpu.memory_space<vmem>> -> memref<1x160xi32, #tpu.memory_space<vmem>>
      %dma_start3A_201 = tpu.memref_squeeze %dma_start3A_200 : memref<1x160xi32, #tpu.memory_space<vmem>> -> memref<160xi32, #tpu.memory_space<vmem>>
      %dma_start3A_202 = arith.constant 0 : i32
      %dma_start3A_203 = arith.constant 0 : i32
      %dma_start3A_204 = tpu.memref_slice %arg6[%dma_start3A_202, %dma_start3A_203] : memref<10240x64xf32, #tpu.memory_space<vmem_shared>> -> memref<10240x64xf32, #tpu.memory_space<vmem_shared>>
      tpu.enqueue_indirect_dma source(%arg12 : memref<160x64xf32, #tpu.memory_space<vmem>>) target(%dma_start3A_204 : memref<10240x64xf32, #tpu.memory_space<vmem_shared>>) offsets(%dma_start3A_201 : memref<160xi32, #tpu.memory_space<vmem>>) semaphore(%arg20 : memref<!tpu.dma_semaphore, #tpu.memory_space<semaphore_mem>>) {add = true}
      %add3A_205 = arith.constant 0 : i32
      %add3A_206 = arith.addi %add3A_103, %add3A_205 : i32
      %dma_wait3A_207 = arith.constant 0 : i32
      %dma_wait3A_208 = tpu.memref_slice %arg8[%add3A_206, %dma_wait3A_207] : memref<125x160xi32, #tpu.memory_space<vmem>> -> memref<1x160xi32, #tpu.memory_space<vmem>>
      %dma_wait3A_209 = tpu.memref_squeeze %dma_wait3A_208 : memref<1x160xi32, #tpu.memory_space<vmem>> -> memref<160xi32, #tpu.memory_space<vmem>>
      %dma_wait3A_210 = arith.constant 0 : i32
      %dma_wait3A_211 = arith.constant 0 : i32
      %dma_wait3A_212 = tpu.memref_slice %arg6[%dma_wait3A_210, %dma_wait3A_211] : memref<10240x64xf32, #tpu.memory_space<vmem_shared>> -> memref<10240x64xf32, #tpu.memory_space<vmem_shared>>
      tpu.wait_indirect_dma semaphore(%arg19 : memref<!tpu.dma_semaphore, #tpu.memory_space<semaphore_mem>>) src(%arg11 : memref<160x64xf32, #tpu.memory_space<vmem>>) dst(%dma_wait3A_212 : memref<10240x64xf32, #tpu.memory_space<vmem_shared>>)
      %add3A_213 = arith.constant 1 : i32
      %add3A_214 = arith.addi %add3A_103, %add3A_213 : i32
      %dma_wait3A_215 = arith.constant 0 : i32
      %dma_wait3A_216 = tpu.memref_slice %arg8[%add3A_214, %dma_wait3A_215] : memref<125x160xi32, #tpu.memory_space<vmem>> -> memref<1x160xi32, #tpu.memory_space<vmem>>
      %dma_wait3A_217 = tpu.memref_squeeze %dma_wait3A_216 : memref<1x160xi32, #tpu.memory_space<vmem>> -> memref<160xi32, #tpu.memory_space<vmem>>
      %dma_wait3A_218 = arith.constant 0 : i32
      %dma_wait3A_219 = arith.constant 0 : i32
      %dma_wait3A_220 = tpu.memref_slice %arg6[%dma_wait3A_218, %dma_wait3A_219] : memref<10240x64xf32, #tpu.memory_space<vmem_shared>> -> memref<10240x64xf32, #tpu.memory_space<vmem_shared>>
      tpu.wait_indirect_dma semaphore(%arg20 : memref<!tpu.dma_semaphore, #tpu.memory_space<semaphore_mem>>) src(%arg12 : memref<160x64xf32, #tpu.memory_space<vmem>>) dst(%dma_wait3A_220 : memref<10240x64xf32, #tpu.memory_space<vmem_shared>>)
    }
    %scan3A_63 = arith.constant 31 : i32
    %dma_start3A_64 = arith.constant 124 : i32
    %dma_start3A_65 = arith.constant 0 : i32
    %dma_start3A_66 = tpu.memref_slice %arg7[%dma_start3A_64, %dma_start3A_65] : memref<125x160xi32, #tpu.memory_space<vmem>> -> memref<1x160xi32, #tpu.memory_space<vmem>>
    %dma_start3A_67 = tpu.memref_squeeze %dma_start3A_66 : memref<1x160xi32, #tpu.memory_space<vmem>> -> memref<160xi32, #tpu.memory_space<vmem>>
    %dma_start3A_68 = arith.constant 0 : i32
    %dma_start3A_69 = arith.constant 0 : i32
    %dma_start3A_70 = tpu.memref_slice %arg2[%dma_start3A_68, %dma_start3A_69] : memref<20000x64xf32, #tpu.memory_space<hbm>> -> memref<20000x64xf32, #tpu.memory_space<hbm>>
    tpu.enqueue_indirect_dma source(%dma_start3A_70 : memref<20000x64xf32, #tpu.memory_space<hbm>>) target(%arg9 : memref<160x64xf32, #tpu.memory_space<vmem>>) offsets(%dma_start3A_67 : memref<160xi32, #tpu.memory_space<vmem>>) semaphore(%arg13 : memref<!tpu.dma_semaphore, #tpu.memory_space<semaphore_mem>>)
    %dma_wait3A_71 = arith.constant 124 : i32
    %dma_wait3A_72 = arith.constant 0 : i32
    %dma_wait3A_73 = tpu.memref_slice %arg7[%dma_wait3A_71, %dma_wait3A_72] : memref<125x160xi32, #tpu.memory_space<vmem>> -> memref<1x160xi32, #tpu.memory_space<vmem>>
    %dma_wait3A_74 = tpu.memref_squeeze %dma_wait3A_73 : memref<1x160xi32, #tpu.memory_space<vmem>> -> memref<160xi32, #tpu.memory_space<vmem>>
    %dma_wait3A_75 = arith.constant 0 : i32
    %dma_wait3A_76 = arith.constant 0 : i32
    %dma_wait3A_77 = tpu.memref_slice %arg2[%dma_wait3A_75, %dma_wait3A_76] : memref<20000x64xf32, #tpu.memory_space<hbm>> -> memref<20000x64xf32, #tpu.memory_space<hbm>>
    tpu.wait_indirect_dma semaphore(%arg13 : memref<!tpu.dma_semaphore, #tpu.memory_space<semaphore_mem>>) src(%dma_wait3A_77 : memref<20000x64xf32, #tpu.memory_space<hbm>>) dst(%arg9 : memref<160x64xf32, #tpu.memory_space<vmem>>)
    %dma_start3A_78 = arith.constant 124 : i32
    %dma_start3A_79 = arith.constant 0 : i32
    %dma_start3A_80 = tpu.memref_slice %arg8[%dma_start3A_78, %dma_start3A_79] : memref<125x160xi32, #tpu.memory_space<vmem>> -> memref<1x160xi32, #tpu.memory_space<vmem>>
    %dma_start3A_81 = tpu.memref_squeeze %dma_start3A_80 : memref<1x160xi32, #tpu.memory_space<vmem>> -> memref<160xi32, #tpu.memory_space<vmem>>
    %dma_start3A_82 = arith.constant 0 : i32
    %dma_start3A_83 = arith.constant 0 : i32
    %dma_start3A_84 = tpu.memref_slice %arg6[%dma_start3A_82, %dma_start3A_83] : memref<10240x64xf32, #tpu.memory_space<vmem_shared>> -> memref<10240x64xf32, #tpu.memory_space<vmem_shared>>
    tpu.enqueue_indirect_dma source(%arg9 : memref<160x64xf32, #tpu.memory_space<vmem>>) target(%dma_start3A_84 : memref<10240x64xf32, #tpu.memory_space<vmem_shared>>) offsets(%dma_start3A_81 : memref<160xi32, #tpu.memory_space<vmem>>) semaphore(%arg17 : memref<!tpu.dma_semaphore, #tpu.memory_space<semaphore_mem>>) {add = true}
    %dma_wait3A_85 = arith.constant 124 : i32
    %dma_wait3A_86 = arith.constant 0 : i32
    %dma_wait3A_87 = tpu.memref_slice %arg8[%dma_wait3A_85, %dma_wait3A_86] : memref<125x160xi32, #tpu.memory_space<vmem>> -> memref<1x160xi32, #tpu.memory_space<vmem>>
    %dma_wait3A_88 = tpu.memref_squeeze %dma_wait3A_87 : memref<1x160xi32, #tpu.memory_space<vmem>> -> memref<160xi32, #tpu.memory_space<vmem>>
    %dma_wait3A_89 = arith.constant 0 : i32
    %dma_wait3A_90 = arith.constant 0 : i32
    %dma_wait3A_91 = tpu.memref_slice %arg6[%dma_wait3A_89, %dma_wait3A_90] : memref<10240x64xf32, #tpu.memory_space<vmem_shared>> -> memref<10240x64xf32, #tpu.memory_space<vmem_shared>>
    tpu.wait_indirect_dma semaphore(%arg17 : memref<!tpu.dma_semaphore, #tpu.memory_space<semaphore_mem>>) src(%arg9 : memref<160x64xf32, #tpu.memory_space<vmem>>) dst(%dma_wait3A_91 : memref<10240x64xf32, #tpu.memory_space<vmem_shared>>)
    %barrier3A_92 = arith.constant 0 : index
    tpu.barrier barrier_id(%barrier3A_92)
    %lt3A = arith.constant 15 : i32
    %lt3A_93 = arith.cmpi slt, %arg1, %lt3A : i32
    %convert_element_type3A = arith.extui %lt3A_93 : i1 to i32
    %cond3A = arith.constant 0 : i32
    %cond3A_94 = arith.cmpi ne, %convert_element_type3A, %cond3A : i32
    scf.if %cond3A_94 {
      %mul3A_99 = arith.constant 64 : i32
      %mul3A_100 = arith.muli %arg0, %mul3A_99 : i32
      "tpu.region"() ({
        %run_scoped3A = tpu.sem_alloc : memref<!tpu.dma_semaphore, #tpu.memory_space<semaphore_mem>>
        %dma_start3A_101 = tpu.memref_slice %arg5[%mul3A_0, %mul3A_100] : memref<10000x128xf32, #tpu.memory_space<hbm>> -> memref<640x64xf32, #tpu.memory_space<hbm>>
        %dma_start3A_102 = arith.constant 0 : i32
        %dma_start3A_103 = tpu.memref_slice %arg6[%mul3A_0, %dma_start3A_102] : memref<10240x64xf32, #tpu.memory_space<vmem_shared>> -> memref<640x64xf32, #tpu.memory_space<vmem_shared>>
        tpu.enqueue_dma source(%dma_start3A_103 : memref<640x64xf32, #tpu.memory_space<vmem_shared>>) target(%dma_start3A_101 : memref<640x64xf32, #tpu.memory_space<hbm>>) target_semaphore(%run_scoped3A : memref<!tpu.dma_semaphore, #tpu.memory_space<semaphore_mem>>)
        %dma_wait3A_104 = tpu.memref_slice %arg5[%mul3A_0, %mul3A_100] : memref<10000x128xf32, #tpu.memory_space<hbm>> -> memref<640x64xf32, #tpu.memory_space<hbm>>
        %dma_wait3A_105 = arith.constant 0 : i32
        %dma_wait3A_106 = tpu.memref_slice %arg6[%mul3A_0, %dma_wait3A_105] : memref<10240x64xf32, #tpu.memory_space<vmem_shared>> -> memref<640x64xf32, #tpu.memory_space<vmem_shared>>
        tpu.wait_dma2 semaphore(%run_scoped3A : memref<!tpu.dma_semaphore, #tpu.memory_space<semaphore_mem>>) src(%dma_wait3A_106 : memref<640x64xf32, #tpu.memory_space<vmem_shared>>) dst(%dma_wait3A_104 : memref<640x64xf32, #tpu.memory_space<hbm>>)
        tpu.yield
      }) : () -> ()
    } else {
    }
    %eq3A = arith.constant 15 : i32
    %eq3A_95 = arith.cmpi eq, %arg1, %eq3A : i32
    %convert_element_type3A_96 = arith.extui %eq3A_95 : i1 to i32
    %cond3A_97 = arith.constant 0 : i32
    %cond3A_98 = arith.cmpi ne, %convert_element_type3A_96, %cond3A_97 : i32
    scf.if %cond3A_98 {
      %mul3A_99 = arith.constant 64 : i32
      %mul3A_100 = arith.muli %arg0, %mul3A_99 : i32
      "tpu.region"() ({
        %run_scoped3A = tpu.sem_alloc : memref<!tpu.dma_semaphore, #tpu.memory_space<semaphore_mem>>
        %dma_start3A_101 = tpu.memref_slice %arg5[%mul3A_0, %mul3A_100] : memref<10000x128xf32, #tpu.memory_space<hbm>> -> memref<400x64xf32, #tpu.memory_space<hbm>>
        %dma_start3A_102 = arith.constant 0 : i32
        %dma_start3A_103 = tpu.memref_slice %arg6[%mul3A_0, %dma_start3A_102] : memref<10240x64xf32, #tpu.memory_space<vmem_shared>> -> memref<400x64xf32, #tpu.memory_space<vmem_shared>>
        tpu.enqueue_dma source(%dma_start3A_103 : memref<400x64xf32, #tpu.memory_space<vmem_shared>>) target(%dma_start3A_101 : memref<400x64xf32, #tpu.memory_space<hbm>>) target_semaphore(%run_scoped3A : memref<!tpu.dma_semaphore, #tpu.memory_space<semaphore_mem>>)
        %dma_wait3A_104 = tpu.memref_slice %arg5[%mul3A_0, %mul3A_100] : memref<10000x128xf32, #tpu.memory_space<hbm>> -> memref<400x64xf32, #tpu.memory_space<hbm>>
        %dma_wait3A_105 = arith.constant 0 : i32
        %dma_wait3A_106 = tpu.memref_slice %arg6[%mul3A_0, %dma_wait3A_105] : memref<10240x64xf32, #tpu.memory_space<vmem_shared>> -> memref<400x64xf32, #tpu.memory_space<vmem_shared>>
        tpu.wait_dma2 semaphore(%run_scoped3A : memref<!tpu.dma_semaphore, #tpu.memory_space<semaphore_mem>>) src(%dma_wait3A_106 : memref<400x64xf32, #tpu.memory_space<vmem_shared>>) dst(%dma_wait3A_104 : memref<400x64xf32, #tpu.memory_space<hbm>>)
        tpu.yield
      }) : () -> ()
    } else {
    }
    return
  }
}

</mosaic_0001>

<sc_bundles>
// kernel: path_add_sc.3.cloned.1.call-start
scs
__scs_entry_jumppad:
0x0: {  	(pc) =	sbr.rel $0x88, $3  }
0x1: {  	(tag) =	ssettag $0x0;
	lr =	simm.s32 $0x1  }
0x2: {  	[smem:$0x3F9E] =	sst lr;
	_ =	strace $0xD0000000  }
0x3: {  	_ = 	snop  }
0x4: {  	_ = 	snop  }
0x5: {  	_ = 	snop  }
0x6: {  	_ = 	snop  }
0x7: {  	_ = 	snop  }
__scs_overlays_trampoline_lowered:
0x8: {  	[smem:$0x3FAD] =	sst s0  }
0x9: {  	[smem:$0x3FAE] =	sst s1  }
0xa: {  	[smem:$0x3FAF] =	sst s2  }
0xb: {  	[smem:$0x3FB0] =	sst s3  }
0xc: {  	[smem:$0x3FB1] =	sst s4  }
0xd: {  	[smem:$0x3FB2] =	sst s5  }
0xe: {  	[smem:$0x3FB3] =	sst s6  }
0xf: {  	[smem:$0x3FB4] =	sst s7  }
0x10: {  	[smem:$0x3FB5] =	sst s8  }
0x11: {  	[smem:$0x3FB6] =	sst s9;
	s0 =	simm.s32 @!p0 $0x0  }
0x12: {  	s1 =	sld [smem:$0x3F9C];
	s0 =	simm.s32 @p0 $0x1  }
0x13: {  	[smem:$0x3FB7] =	sst s0;
	s0 =	simm.s32 @!p1 $0x0  }
0x14: {  	s2 =	sld [smem:$0x3F9B];
	s0 =	simm.s32 @p1 $0x1  }
0x15: {  	[smem:$0x3FB8] =	sst s0;
	s0 =	simm.s32 @!p2 $0x0  }
0x16: {  	s3 =	sld [smem:$0x3FDB];
	s0 =	simm.s32 @p2 $0x1  }
0x17: {  	s4 =	simm.s32 $0x1BF5;
	[smem:$0x3FBA] =	sst s0  }
0x18: {  	s0 =	sld [smem:$0x3F9D];
	_ =	swait.ge [sflag:s4], $0x0  }
0x19: {  	s7 =	sld [smem:$0x3F9E]  }
0x1a: {  	s8 =	sadd.s32 $0xFFFFE003, lr  }
0x1b: {  	s9 =	sadd.s32 $0xFFFFFEF7, lr;
	s5 =	simm.s32 $0xFFFFFFFF;
	p2 =	slt.u32 s8, $0xFFFFF086  }
0x1c: {  	p1 =	slt.u32 s9, $0xF7A;
	s5 =	simm.s32 @!p2 $0x0  }
0x1d: {  	s5 =	simm.s32 @p1 $0x1;
	p0 =	seq.s32 s7, s2  }
0x1e: {  	s7 =	smul.u32 @!p0 $0xF7A, s2;
	p2 =	seq.s32 @!p0 s5, $0x0  }
0x1f: {  	s9 =	smul.u32 $0xF7A, s1;
	s8 =	simm.s32 @!p0 $0x1BF5;
	p2 =	por !p2, p0  }
0x20: {  	[sflag:s8] =	ssyncset.s32 @!p0 $0xFFFFF086;
	s6 =	sadd.s32 @!p0 s3, s7;
	s7 =	simm.s32 @!p0 $0x108  }
0x21: {  	s3 =	sadd.s32 s3, s9;
	s6 =	sadd.s32 @!p0 $0x88, s6;
	s7 =	simm.s32 @p2 $0x1082  }
0x22: {  	[simem:s7], [sflag:s8] =	dma.local @!p0 [hbm:s6], $0xF7A  }
0x23: {  	s9 =	sor.u32 $0xD0000000, s2;
	s6 =	simm.s32 $0x108;
	_ =	swait.ge @!p0 [sflag:s8], $0x0  }
0x24: {  	s3 =	sadd.s32 $0x88, s3;
	s6 =	simm.s32 @!p1 $0x1082;
	[sflag:s4] =	ssyncset.s32 $0xFFFFF086  }
0x25: {  	[simem:s6], [sflag:s4] =	dma.local [hbm:s3], $0xF7A  }
0x26: {  	[smem:$0x3F9E] =	sst s1;
	(tag) =	ssettag s2;
	_ =	strace s9  }
0x27: {  	s1 =	sld [smem:$0x3FAE]  }
0x28: {  	s2 =	sld [smem:$0x3FAF]  }
0x29: {  	s4 =	sld [smem:$0x3FB1]  }
0x2a: {  	p0 =	seq.s32 s5, $0x0;
	s5 =	sld [smem:$0x3FB2]  }
0x2b: {  	s6 =	sld [smem:$0x3FB3]  }
0x2c: {  	s7 =	sld [smem:$0x3FB4]  }
0x2d: {  	s3 =	simm.s32 $0x108;
	s8 =	sld [smem:$0x3FB5]  }
0x2e: {  	s3 =	simm.s32 @!p0 $0x1082;
	s9 =	sld [smem:$0x3FB6]  }
0x2f: {  	lr =	sadd.s32 s0, s3;
	s0 =	sld [smem:$0x3FAD]  }
0x30: {  	s3 =	sld [smem:$0x3FB0]  }
0x31: {  	[smem:$0x3FB9] =	sst s10  }
0x32: {  	s10 =	sld [smem:$0x3FB7];
	_ =	sdelay $0x3  }
0x33: {  	p0 =	seq.s32 s10, $0x1;
	s10 =	sld [smem:$0x3FB9];
	_ =	sdelay $0x3  }
0x34: {  	[smem:$0x3FB9] =	sst s10  }
0x35: {  	s10 =	sld [smem:$0x3FB8];
	_ =	sdelay $0x3  }
0x36: {  	p1 =	seq.s32 s10, $0x1;
	s10 =	sld [smem:$0x3FB9];
	_ =	sdelay $0x3  }
0x37: {  	[smem:$0x3FB9] =	sst s10  }
0x38: {  	s10 =	sld [smem:$0x3FBA]  }
0x39: {  	_ = 	snop;
	(pc) =	sbr.ind lr, $3  }
0x3a: {  	_ = 	snop  }
0x3b: {  	_ = 	snop  }
0x3c: {  	p2 =	seq.s32 s10, $0x1;
	s10 =	sld [smem:$0x3FB9]  }
0x3d: {  	_ =	shalt  }
0x3e: {  	_ =	shalt  }
0x3f: {  	_ =	shalt  }
0x40: {  	_ =	shalt  }
0x41: {  	_ =	shalt  }
0x42: {  	_ =	shalt  }
0x43: {  	_ =	shalt  }
0x44: {  	_ =	shalt  }
0x45: {  	_ =	shalt  }
0x46: {  	_ =	shalt  }
0x47: {  	_ =	shalt  }
0x48: {  	_ =	shalt  }
0x49: {  	_ =	shalt  }
0x4a: {  	_ =	shalt  }
0x4b: {  	_ =	shalt  }
0x4c: {  	_ =	shalt  }
0x4d: {  	_ =	shalt  }
0x4e: {  	_ =	shalt  }
0x4f: {  	_ =	shalt  }
0x50: {  	_ =	shalt  }
0x51: {  	_ =	shalt  }
0x52: {  	_ =	shalt  }
0x53: {  	_ =	shalt  }
0x54: {  	_ =	shalt  }
0x55: {  	_ =	shalt  }
0x56: {  	_ =	shalt  }
0x57: {  	_ =	shalt  }
0x58: {  	_ =	shalt  }
0x59: {  	_ =	shalt  }
0x5a: {  	_ =	shalt  }
0x5b: {  	_ =	shalt  }
0x5c: {  	_ =	shalt  }
0x5d: {  	_ =	shalt  }
0x5e: {  	_ =	shalt  }
0x5f: {  	_ =	shalt  }
0x60: {  	_ =	shalt  }
0x61: {  	_ =	shalt  }
0x62: {  	_ =	shalt  }
0x63: {  	_ =	shalt  }
0x64: {  	_ =	shalt  }
0x65: {  	_ =	shalt  }
0x66: {  	_ =	shalt  }
0x67: {  	_ =	shalt  }
0x68: {  	_ =	shalt  }
0x69: {  	_ =	shalt  }
0x6a: {  	_ =	shalt  }
0x6b: {  	_ =	shalt  }
0x6c: {  	_ =	shalt  }
0x6d: {  	_ =	shalt  }
0x6e: {  	_ =	shalt  }
0x6f: {  	_ =	shalt  }
0x70: {  	_ =	shalt  }
0x71: {  	_ =	shalt  }
0x72: {  	_ =	shalt  }
0x73: {  	_ =	shalt  }
0x74: {  	_ =	shalt  }
0x75: {  	_ =	shalt  }
0x76: {  	_ =	shalt  }
0x77: {  	_ =	shalt  }
0x78: {  	_ =	shalt  }
0x79: {  	_ =	shalt  }
0x7a: {  	_ =	shalt  }
0x7b: {  	_ =	shalt  }
0x7c: {  	_ =	shalt  }
0x7d: {  	_ =	shalt  }
0x7e: {  	_ =	shalt  }
0x7f: {  	_ =	shalt  }
0x80: {  	_ =	shalt  }
0x81: {  	_ =	shalt  }
0x82: {  	_ =	shalt  }
0x83: {  	_ =	shalt  }
0x84: {  	_ =	shalt  }
0x85: {  	_ =	shalt  }
0x86: {  	_ =	shalt  }
0x87: {  	_ =	shalt  }
.Lfunc_end0:
.L_simem_size_0:
called_computation_lowered:
.L_overlay_start_0:
0x88: {  	s2 =	sld [smem:$0x3FD9]  }
0x89: {  	s3 =	sld [smem:$0x3FFE];
	_ =	sdelay $0x1  }
0x8a: {  	s1 =	srdreg.scid  }
0x8b: {  	s0 =	sand.u32 $0x1, s1  }
0x8c: {  	s17 =	sshll.u32 s0, $0xA;
	s2 =	sadd.s32 s3, s2  }
0x8d: {  	s2 =	sadd.s32 s2, s17  }
0x8e: {  	[smem:$0x3FC5] =	sst s2  }
0x8f: {  	_ = 	snop  }
0x90: {  	s2 =	sld [smem:$0x3FD0];
	(tm) =	ssettm $0x1  }
0x91: {  	s18 =	sld [smem:$0x3FFB];
	_ =	sdelay $0x3  }
0x92: {  	_ =	strace s18  }
0x93: {  	s3 =	sld [smem:$0x3FFC];
	_ =	sdelay $0x3  }
0x94: {  	_ =	strace s3  }
0x95: {  	s3 =	sld [smem:$0x3FFD];
	_ =	sdelay $0x3  }
0x96: {  	_ =	strace s3  }
0x97: {  	_ =	strace $0x8FFFFFFF  }
0x98: {  	s19 =	sld [smem:$0x3FDB];
	_ =	sdelay $0x1  }
0x99: {  	s4 =	simm.s32 $_scs_section_size  }
0x9a: {  	s5 =	simm.s32 $_size__tile_overlayer_lowered;
	s6 =	simm.s32 $_tile_overlayer_lowered  }
0x9b: {  	s22 =	simm.s32 $0x1BFF;
	s21 =	sshll.u32 s6, $0x1;
	s3 =	sadd.s32 s4, s19  }
0x9c: {  	s7 =	simm.s32 $0x0;
	s20 =	sshll.u32 s5, $0x1;
	s5 =	sadd.s32 s21, s3  }
0x9d: {  	[timem:s7], [sflag:s22] =	dma.local [hbm:s5], s20  }
0x9e: {  	_ =	swait.ge [sflag:s22], s20  }
0x9f: {  	s4 =	ssub.s32 $0x0, s20;
	[sflag:s22] =	ssyncset.done $0x0  }
0xa0: {  	[sflag:s22] =	ssyncadd.s32 s4;
	_ =	sdelay $0x1  }
0xa1: {  	s23 =	simm.s32 $0x1B8B  }
0xa2: {  	_ =	swait.ge [sflag:s23], $0x1  }
0xa3: {  	[sflag:s23] =	ssyncset.done $0x0  }
0xa4: {  	s25 =	simm.s32 $0x1B8E;
	s24 =	sld [smem:$0x3FFE];
	[sflag:s23] =	ssyncadd.s32 $0xFFFFFFFF  }
0xa5: {  	s26 =	simm.s32 $execute0_lowered;
	[smem:$0x3FD2] =	sst s25  }
0xa6: {  	s5 =	sshll.u32 s26, $0x1;
	_ =	strace $0x80000046;
	[dreg:$0x1] =	wrdreg $0xFFFFFFFF  }
0xa7: {  	s28 =	simm.s32 $_size_execute0_lowered;
	s3 =	sadd.s32 s3, s5;
	[dreg:$0x0] =	wrdreg $0x0  }
0xa8: {  	s5 =	sshll.u32 s28, $0x1;
	[dreg:$0x2] =	wrdreg s3  }
0xa9: {  	[dreg:$0x3] =	wrdreg s5  }
0xaa: {  	[dreg:$0x4] =	wrdreg $0xC0  }
0xab: {  	_ =	task [dreg:s7], $0x5FFFF  }
0xac: {  	[dreg:$0x1] =	wrdreg $0xFFFFFFFF  }
0xad: {  	[dreg:$0x0] =	wrdreg $0x60  }
0xae: {  	[dreg:$0x2] =	wrdreg s24  }
0xaf: {  	[dreg:$0x3] =	wrdreg s2  }
0xb0: {  	[dreg:$0x4] =	wrdreg $0x0  }
0xb1: {  	[dreg:$0x5] =	wrdreg $0x9  }
0xb2: {  	_ =	task.clear_ibuf [dreg:s7], $0x6FFFF;
	_ =	strace $0x90000046  }
0xb3: {  	s29 =	simm.s32 $0x9;
	_ =	strace $0x80000048  }
0xb4: {  	_ =	swait.ge [sflag:s29], $0x1  }
0xb5: {  	[sflag:s29] =	ssyncadd.s32 $0xFFFFFFFF  }
0xb6: {  	_ =	strace $0x90000048  }
0xb7: {  	_ =	sfence  }
0xb8: {  	s30 =	sld [smem:$0x0];
	_ =	sdelay $0x2  }
0xb9: {  	s31 =	sshll.u32 s1, $0xD;
	s1 =	sshrl.u32 s1, $0x2  }
0xba: {  	s3 =	sand.u32 $0x4000, s31;
	s1 =	sadd.s32 s1, s30  }
0xbb: {  	s0 =	sor.u32 s3, s0;
	s1 =	sshll.u32 s1, $0x11  }
0xbc: {  	s0 =	sor.u32 s1, s0  }
0xbd: {  	s0 =	sadd.s32 $0x8F2B, s0  }
0xbe: {  	[sflag:s0] =	ssyncadd.remote.s32 $0x1  }
0xbf: {  	_ =	sfence.sel $0xFFFF  }
0xc0: {  	[dreg:$0x0] =	wrdreg $0xFFFFFFFF;
	(pc) =	sbr.abs _section_cstart, $3  }
0xc1: {  	[dreg:$0x1] =	wrdreg $0xFFFFFFFF  }
0xc2: {  	_ =	task.clear_ibuf [dreg:s7], $0x2FFFF;
	_ =	strace $0x9FFFFFFF  }
0xc3: {  	(tm) =	ssettm $0x7FFFFFFF  }
tec
execute0_lowered:
.L_overlay_start_1:
0x0: {  	(tag) =	ssettag $0x1  }
0x1: {  	s0 =	rddreg [dreg:$0x0]  }
0x2: {  	s1 =	rddreg [dreg:$0x1]  }
0x3: {  	s3 =	srdreg.scid;
	s15 =	stileid.u32  }
0x4: {  	s2 =	rddreg [dreg:$0x2];
	s4 =	simm.s32 $0x0;
	s14 =	simm.s32 $0xA000  }
0x5: {  	s16 =	simm.s32 $0x1;
	s17 =	simm.s32 $0xA0;
	s18 =	simm.s32 $0x13C40  }
0x6: {  	s20 =	simm.s32 $0x16440;
	s21 =	simm.s32 $0x1B440;
	s22 =	simm.s32 $0x9  }
0x7: {  	s23 =	simm.s32 $0x2;
	s28 =	simm.s32 $0x3;
	s29 =	simm.s32 $0x4  }
0x8: {  	s30 =	simm.s32 $0x7;
	s31 =	simm.s32 $0x8;
	s5 =	smul.u32 $0x4E20, s15  }
0x9: {  	s3 =	sand.u32 $0x1, s3;
	[smem:$0x7FF] =	sst s4;
	s8 =	smul.u32 $0x28000, s15  }
0xa: {  	s4 =	sadd.s32 $0x800, s0;
	s10 =	smul.u32 $0x14000, s15;
	p0 =	seq.s32 s15, $0xF  }
0xb: {  	s6 =	smul.u32 $0x4E200, s3;
	_ =	strace $0x80000047;
	s7 =	ssub.s32 $0x2, s3  }
0xc: {  	s26 =	sshll.u32 s3, $0x6;
	s3 =	sshll.u32 s3, $0x3;
	s9 =	sshrl.u32 s7, $0x1  }
0xd: {  	s24 =	sshrl.u32 s8, $0x2;
	s3 =	sadd.s32 s3, s1;
	s6 =	sadd.s32 s5, s6  }
0xe: {  	s5 =	sshrl.u32 s5, $0x3;
	s13 =	ssub.s32 s7, s9;
	s6 =	sshrl.u32 s6, $0x3  }
0xf: {  	s12 =	sadd.s32 $0x25800, s3;
	s13 =	smax.u32 s13, $0x1;
	s6 =	sadd.s32 s6, s0  }
0x10: {  	s0 =	sadd.s32 s5, s0;
	s25 =	sadd.s32 $0x27A00, s6;
	s6 =	sadd.s32 s24, s2  }
0x11: {  	s7 =	sadd.s32 $0x3B400, s0;
	s0 =	sor.u32 s26, s10;
	s24 =	simm.s32 $0x18C40  }
0x12: {  	s26 =	simm.s32 $0x6;
	[dreg:$0x4] =	wrdreg s25;
	s8 =	sadd.s32 $0x2800, s6  }
0x13: {  	s9 =	sadd.s32 $0x5000, s6;
	s10 =	sadd.s32 $0x7800, s6;
	s0 =	sshrl.u32 s0, $0x3  }
0x14: {  	v0 =	vimm.f32 $0.0e+00;
	s25 =	simm.s32 $0x5;
	s11 =	sadd.s32 s1, s0;
	s1 =	simm.s32 $0x0  }
.LBB2_1:
0x15: {  	s0 =	simm.s32 $0x0;
	s3 =	rddreg [dreg:$0x4]  }
0x16: {  	[tilespmem:s14], [sflag:$0x1] =	stream.linear.gather [hbm4b:s3+s0], $0x4E20, $0x38;
	[tilespmem:$0x1DC40] =	vst v63  }
0x17: {  	s19 =	simm.s32 $0xEE20  }
0x18: {  	[tilespmem:s19], [sflag:$0x2] =	stream.linear.gather [hbm4b:s7+s0], $0x4E20, $0x38;
	[tilespmem:$0x1DC40] =	vst v63  }
0x19: {  	s15 =	simm.s32 $0x100;
	s0 =	simm.s32 $0x0  }
.LBB2_2:
0x1a: {  	p1 =	sne.s32 s15, $0x9F00;
	[tilespmem:s0+$0x1B470] =	vst v0;
	s3 =	smov.u32 s15;
	s15 =	sadd.s32 $0x100, s15  }
.Ltmp0:
0x1b: {  	[tilespmem:s0+$0x1B460] =	vst v0;
	(pc) =	sbr.rel @p1 .LBB2_2-.Ltmp0, $3  }
0x1c: {  	[tilespmem:s0+$0x1B440] =	vst v0  }
0x1d: {  	[tilespmem:s0+$0x1B450] =	vst v0;
	_ =	sdelay $0x1  }
0x1e: {  	s0 =	sshra.s32 s3, $0x2  }
0x1f: {  	[tilespmem:s0+$0x1B470] =	vst v0  }
0x20: {  	[tilespmem:s0+$0x1B460] =	vst v0  }
0x21: {  	[tilespmem:s0+$0x1B440] =	vst v0  }
0x22: {  	[tilespmem:s0+$0x1B450] =	vst v0  }
0x23: {  	_ =	swait.ge [sflag:s16], $0x4E20  }
0x24: {  	[sflag:s16] =	ssyncset.done $0x0  }
0x25: {  	[sflag:s16] =	ssyncadd.s32 $0xFFFFB1E0  }
0x26: {  	[tilespmem:s18], [sflag:$0x1] =	stream.indirect.gather [hbm4b:s4+s17], $0x40, s14, s17, $0xb8;
	[tilespmem:$0x1DC40] =	vst v63  }
0x27: {  	s19 =	simm.s32 $0xA0A0  }
0x28: {  	[tilespmem:s20], [sflag:$0x2] =	stream.indirect.gather [hbm4b:s4+s17], $0x40, s19, s17, $0xb8;
	[tilespmem:$0x1DC40] =	vst v63  }
0x29: {  	_ = 	snop  }
0x2a: {  	[spmem:s6] =	stream.linear.scatter [tilespmem:s21], [sflag:$0x9], $0x2800, $0x38;
	[tilespmem:$0x1DC40] =	vst v63  }
0x2b: {  	_ =	swait.ge [sflag:s22], $0x2800  }
0x2c: {  	[sflag:s22] =	ssyncset.done $0x0  }
0x2d: {  	[sflag:s22] =	ssyncadd.s32 $0xFFFFD800  }
0x2e: {  	[spmem:s8] =	stream.linear.scatter [tilespmem:s21], [sflag:$0x9], $0x2800, $0x38;
	[tilespmem:$0x1DC40] =	vst v63  }
0x2f: {  	_ =	swait.ge [sflag:s22], $0x2800  }
0x30: {  	[sflag:s22] =	ssyncset.done $0x0  }
0x31: {  	[sflag:s22] =	ssyncadd.s32 $0xFFFFD800  }
0x32: {  	[spmem:s9] =	stream.linear.scatter [tilespmem:s21], [sflag:$0x9], $0x2800, $0x38;
	[tilespmem:$0x1DC40] =	vst v63  }
0x33: {  	_ =	swait.ge [sflag:s22], $0x2800  }
0x34: {  	[sflag:s22] =	ssyncset.done $0x0  }
0x35: {  	[sflag:s22] =	ssyncadd.s32 $0xFFFFD800  }
0x36: {  	[spmem:s10] =	stream.linear.scatter [tilespmem:s21], [sflag:$0x9], $0x2800, $0x38;
	[tilespmem:$0x1DC40] =	vst v63  }
0x37: {  	_ =	swait.ge [sflag:s22], $0x2800  }
0x38: {  	[sflag:s22] =	ssyncset.done $0x0  }
0x39: {  	[sflag:s22] =	ssyncadd.s32 $0xFFFFD800  }
0x3a: {  	_ =	swait.ge [sflag:s23], $0x4E20  }
0x3b: {  	[sflag:s23] =	ssyncset.done $0x0  }
0x3c: {  	[sflag:s23] =	ssyncadd.s32 $0xFFFFB1E0  }
0x3d: {  	s3 =	simm.s32 $0xA140;
	[bflag:$0x0] =	sbarrier.arrive $0xFFFF  }
0x3e: {  	[tilespmem:s24], [sflag:$0x3] =	stream.indirect.gather [hbm4b:s4+s17], $0x40, s3, s17, $0xb8;
	[tilespmem:$0x1DC40] =	vst v63  }
0x3f: {  	s5 =	simm.s32 $0xA1E0  }
0x40: {  	[tilespmem:s21], [sflag:$0x4] =	stream.indirect.gather [hbm4b:s4+s17], $0x40, s5, s17, $0xb8;
	[tilespmem:$0x1DC40] =	vst v63  }
0x41: {  	_ =	swait.ge [sflag:s16], $0x2800  }
0x42: {  	[sflag:s16] =	ssyncset.done $0x0  }
0x43: {  	s15 =	simm.s32 $0xEE20;
	[sflag:s16] =	ssyncadd.s32 $0xFFFFD800  }
0x44: {  	[spmem:s2] =	stream.indirect.scatter.add.f32 [tilespmem:s18], [sflag:$0x5], $0x40, s15, s17, $0xb8;
	[tilespmem:$0x1DC40] =	vst v63  }
0x45: {  	_ =	swait.ge [sflag:s23], $0x2800  }
0x46: {  	[sflag:s23] =	ssyncset.done $0x0  }
0x47: {  	s19 =	simm.s32 $0xEEC0;
	[sflag:s23] =	ssyncadd.s32 $0xFFFFD800  }
0x48: {  	[spmem:s2] =	stream.indirect.scatter.add.f32 [tilespmem:s20], [sflag:$0x6], $0x40, s19, s17, $0xb8;
	[tilespmem:$0x1DC40] =	vst v63  }
0x49: {  	_ =	swait.ge [sflag:s25], $0x2800  }
0x4a: {  	[sflag:s25] =	ssyncset.done $0x0  }
0x4b: {  	[sflag:s25] =	ssyncadd.s32 $0xFFFFD800  }
0x4c: {  	_ =	swait.ge [sflag:s26], $0x2800  }
0x4d: {  	[sflag:s26] =	ssyncset.done $0x0  }
0x4e: {  	s3 =	simm.s32 $0xA280;
	[sflag:s26] =	ssyncadd.s32 $0xFFFFD800  }
0x4f: {  	[tilespmem:s18], [sflag:$0x1] =	stream.indirect.gather [hbm4b:s4+s17], $0x40, s3, s17, $0xb8;
	[tilespmem:$0x1DC40] =	vst v63  }
0x50: {  	s5 =	simm.s32 $0xA320  }
0x51: {  	[tilespmem:s20], [sflag:$0x2] =	stream.indirect.gather [hbm4b:s4+s17], $0x40, s5, s17, $0xb8;
	[tilespmem:$0x1DC40] =	vst v63  }
0x52: {  	_ =	swait.ge [sflag:s28], $0x2800  }
0x53: {  	[sflag:s28] =	ssyncset.done $0x0  }
0x54: {  	s15 =	simm.s32 $0xEF60;
	[sflag:s28] =	ssyncadd.s32 $0xFFFFD800  }
0x55: {  	[spmem:s2] =	stream.indirect.scatter.add.f32 [tilespmem:s24], [sflag:$0x7], $0x40, s15, s17, $0xb8;
	[tilespmem:$0x1DC40] =	vst v63  }
0x56: {  	_ =	swait.ge [sflag:s29], $0x2800  }
0x57: {  	[sflag:s29] =	ssyncset.done $0x0  }
0x58: {  	s19 =	simm.s32 $0xF000;
	[sflag:s29] =	ssyncadd.s32 $0xFFFFD800  }
0x59: {  	[spmem:s2] =	stream.indirect.scatter.add.f32 [tilespmem:s21], [sflag:$0x8], $0x40, s19, s17, $0xb8;
	[tilespmem:$0x1DC40] =	vst v63  }
0x5a: {  	_ =	swait.ge [sflag:s30], $0x2800  }
0x5b: {  	[sflag:s30] =	ssyncset.done $0x0  }
0x5c: {  	[sflag:s30] =	ssyncadd.s32 $0xFFFFD800  }
0x5d: {  	_ =	swait.ge [sflag:s31], $0x2800  }
0x5e: {  	s15 =	simm.s32 $0x280;
	s19 =	simm.s32 $0x1400;
	[sflag:s31] =	ssyncset.done $0x0  }
.LBB2_4:
0x5f: {  	s5 =	sadd.s32 $0xA140, s15  }
0x60: {  	[sflag:s31] =	ssyncadd.s32 $0xFFFFD800;
	s0 =	smov.u32 s19;
	s3 =	sadd.s32 $0xA00, s19  }
0x61: {  	[tilespmem:s24], [sflag:$0x3] =	stream.indirect.gather [hbm4b:s4+s17], $0x40, s5, s17, $0xb8;
	[tilespmem:$0x1DC40] =	vst v63  }
0x62: {  	p1 =	sne.s32 s19, $0x12200;
	s5 =	sadd.s32 $0xA1E0, s15  }
0x63: {  	[tilespmem:s21], [sflag:$0x4] =	stream.indirect.gather [hbm4b:s4+s17], $0x40, s5, s17, $0xb8;
	[tilespmem:$0x1DC40] =	vst v63  }
0x64: {  	_ =	swait.ge [sflag:s16], $0x2800  }
0x65: {  	[sflag:s16] =	ssyncset.done $0x0  }
0x66: {  	s5 =	sadd.s32 $0xEE20, s15;
	[sflag:s16] =	ssyncadd.s32 $0xFFFFD800  }
0x67: {  	[spmem:s2] =	stream.indirect.scatter.add.f32 [tilespmem:s18], [sflag:$0x5], $0x40, s5, s17, $0xb8;
	[tilespmem:$0x1DC40] =	vst v63  }
0x68: {  	_ =	swait.ge [sflag:s23], $0x2800  }
0x69: {  	[sflag:s23] =	ssyncset.done $0x0  }
0x6a: {  	s5 =	sadd.s32 $0xEEC0, s15;
	[sflag:s23] =	ssyncadd.s32 $0xFFFFD800  }
0x6b: {  	[spmem:s2] =	stream.indirect.scatter.add.f32 [tilespmem:s20], [sflag:$0x6], $0x40, s5, s17, $0xb8;
	[tilespmem:$0x1DC40] =	vst v63  }
0x6c: {  	_ =	swait.ge [sflag:s25], $0x2800  }
0x6d: {  	[sflag:s25] =	ssyncset.done $0x0  }
0x6e: {  	[sflag:s25] =	ssyncadd.s32 $0xFFFFD800  }
0x6f: {  	_ =	swait.ge [sflag:s26], $0x2800  }
0x70: {  	[sflag:s26] =	ssyncset.done $0x0  }
0x71: {  	s5 =	sadd.s32 $0xA280, s15;
	[sflag:s26] =	ssyncadd.s32 $0xFFFFD800  }
0x72: {  	[tilespmem:s18], [sflag:$0x1] =	stream.indirect.gather [hbm4b:s4+s17], $0x40, s5, s17, $0xb8;
	[tilespmem:$0x1DC40] =	vst v63  }
0x73: {  	s5 =	sadd.s32 $0xA320, s15  }
0x74: {  	[tilespmem:s20], [sflag:$0x2] =	stream.indirect.gather [hbm4b:s4+s17], $0x40, s5, s17, $0xb8;
	[tilespmem:$0x1DC40] =	vst v63  }
0x75: {  	_ =	swait.ge [sflag:s28], $0x2800  }
0x76: {  	[sflag:s28] =	ssyncset.done $0x0  }
0x77: {  	s5 =	sadd.s32 $0xEF60, s15;
	[sflag:s28] =	ssyncadd.s32 $0xFFFFD800  }
0x78: {  	[spmem:s2] =	stream.indirect.scatter.add.f32 [tilespmem:s24], [sflag:$0x7], $0x40, s5, s17, $0xb8;
	[tilespmem:$0x1DC40] =	vst v63  }
0x79: {  	_ =	swait.ge [sflag:s29], $0x2800  }
0x7a: {  	[sflag:s29] =	ssyncset.done $0x0  }
0x7b: {  	s5 =	sadd.s32 $0xF000, s15;
	[sflag:s29] =	ssyncadd.s32 $0xFFFFD800  }
0x7c: {  	[spmem:s2] =	stream.indirect.scatter.add.f32 [tilespmem:s21], [sflag:$0x8], $0x40, s5, s17, $0xb8;
	[tilespmem:$0x1DC40] =	vst v63  }
.Ltmp1:
0x7d: {  	_ =	swait.ge [sflag:s30], $0x2800;
	(pc) =	sbr.rel @p1 .LBB2_4-.Ltmp1, $4  }
0x7e: {  	[sflag:s30] =	ssyncset.done $0x0  }
0x7f: {  	[sflag:s30] =	ssyncadd.s32 $0xFFFFD800  }
0x80: {  	_ =	swait.ge [sflag:s31], $0x2800  }
0x81: {  	s19 =	smov.u32 s3;
	s15 =	sshra.s32 s0, $0x2;
	[sflag:s31] =	ssyncset.done $0x0  }
0x82: {  	s0 =	sadd.s32 $0xA140, s15;
	[sflag:s31] =	ssyncadd.s32 $0xFFFFD800  }
0x83: {  	[tilespmem:s24], [sflag:$0x3] =	stream.indirect.gather [hbm4b:s4+s17], $0x40, s0, s17, $0xb8;
	[tilespmem:$0x1DC40] =	vst v63  }
0x84: {  	s19 =	sadd.s32 $0xA1E0, s15  }
0x85: {  	[tilespmem:s21], [sflag:$0x4] =	stream.indirect.gather [hbm4b:s4+s17], $0x40, s19, s17, $0xb8;
	[tilespmem:$0x1DC40] =	vst v63  }
0x86: {  	_ =	swait.ge [sflag:s16], $0x2800  }
0x87: {  	[sflag:s16] =	ssyncset.done $0x0  }
0x88: {  	s3 =	sadd.s32 $0xEE20, s15;
	[sflag:s16] =	ssyncadd.s32 $0xFFFFD800  }
0x89: {  	[spmem:s2] =	stream.indirect.scatter.add.f32 [tilespmem:s18], [sflag:$0x5], $0x40, s3, s17, $0xb8;
	[tilespmem:$0x1DC40] =	vst v63  }
0x8a: {  	_ =	swait.ge [sflag:s23], $0x2800  }
0x8b: {  	[sflag:s23] =	ssyncset.done $0x0  }
0x8c: {  	s5 =	sadd.s32 $0xEEC0, s15;
	[sflag:s23] =	ssyncadd.s32 $0xFFFFD800  }
0x8d: {  	[spmem:s2] =	stream.indirect.scatter.add.f32 [tilespmem:s20], [sflag:$0x6], $0x40, s5, s17, $0xb8;
	[tilespmem:$0x1DC40] =	vst v63  }
0x8e: {  	_ =	swait.ge [sflag:s25], $0x2800  }
0x8f: {  	[sflag:s25] =	ssyncset.done $0x0  }
0x90: {  	[sflag:s25] =	ssyncadd.s32 $0xFFFFD800  }
0x91: {  	_ =	swait.ge [sflag:s26], $0x2800  }
0x92: {  	[sflag:s26] =	ssyncset.done $0x0  }
0x93: {  	s19 =	sadd.s32 $0xA280, s15;
	[sflag:s26] =	ssyncadd.s32 $0xFFFFD800  }
0x94: {  	[tilespmem:s18], [sflag:$0x1] =	stream.indirect.gather [hbm4b:s4+s17], $0x40, s19, s17, $0xb8;
	[tilespmem:$0x1DC40] =	vst v63  }
0x95: {  	s3 =	sadd.s32 $0xA320, s15  }
0x96: {  	[tilespmem:s20], [sflag:$0x2] =	stream.indirect.gather [hbm4b:s4+s17], $0x40, s3, s17, $0xb8;
	[tilespmem:$0x1DC40] =	vst v63  }
0x97: {  	_ =	swait.ge [sflag:s28], $0x2800  }
0x98: {  	[sflag:s28] =	ssyncset.done $0x0  }
0x99: {  	s5 =	sadd.s32 $0xEF60, s15;
	[sflag:s28] =	ssyncadd.s32 $0xFFFFD800  }
0x9a: {  	[spmem:s2] =	stream.indirect.scatter.add.f32 [tilespmem:s24], [sflag:$0x7], $0x40, s5, s17, $0xb8;
	[tilespmem:$0x1DC40] =	vst v63  }
0x9b: {  	_ =	swait.ge [sflag:s29], $0x2800  }
0x9c: {  	[sflag:s29] =	ssyncset.done $0x0  }
0x9d: {  	s19 =	sadd.s32 $0xF000, s15;
	[sflag:s29] =	ssyncadd.s32 $0xFFFFD800  }
0x9e: {  	[spmem:s2] =	stream.indirect.scatter.add.f32 [tilespmem:s21], [sflag:$0x8], $0x40, s19, s17, $0xb8;
	[tilespmem:$0x1DC40] =	vst v63  }
0x9f: {  	_ =	swait.ge [sflag:s30], $0x2800  }
0xa0: {  	[sflag:s30] =	ssyncset.done $0x0  }
0xa1: {  	[sflag:s30] =	ssyncadd.s32 $0xFFFFD800  }
0xa2: {  	_ =	swait.ge [sflag:s31], $0x2800  }
0xa3: {  	[sflag:s31] =	ssyncset.done $0x0  }
0xa4: {  	s3 =	simm.s32 $0xEC40;
	[sflag:s31] =	ssyncadd.s32 $0xFFFFD800  }
0xa5: {  	[tilespmem:s24], [sflag:$0x3] =	stream.indirect.gather [hbm4b:s4+s17], $0x40, s3, s17, $0xb8;
	[tilespmem:$0x1DC40] =	vst v63  }
0xa6: {  	s5 =	simm.s32 $0xECE0  }
0xa7: {  	[tilespmem:s21], [sflag:$0x4] =	stream.indirect.gather [hbm4b:s4+s17], $0x40, s5, s17, $0xb8;
	[tilespmem:$0x1DC40] =	vst v63  }
0xa8: {  	_ =	swait.ge [sflag:s16], $0x2800  }
0xa9: {  	[sflag:s16] =	ssyncset.done $0x0  }
0xaa: {  	s15 =	simm.s32 $0x13920;
	[sflag:s16] =	ssyncadd.s32 $0xFFFFD800  }
0xab: {  	[spmem:s2] =	stream.indirect.scatter.add.f32 [tilespmem:s18], [sflag:$0x5], $0x40, s15, s17, $0xb8;
	[tilespmem:$0x1DC40] =	vst v63  }
0xac: {  	_ =	swait.ge [sflag:s23], $0x2800  }
0xad: {  	[sflag:s23] =	ssyncset.done $0x0  }
0xae: {  	s19 =	simm.s32 $0x139C0;
	[sflag:s23] =	ssyncadd.s32 $0xFFFFD800  }
0xaf: {  	[spmem:s2] =	stream.indirect.scatter.add.f32 [tilespmem:s20], [sflag:$0x6], $0x40, s19, s17, $0xb8;
	[tilespmem:$0x1DC40] =	vst v63  }
0xb0: {  	_ =	swait.ge [sflag:s25], $0x2800  }
0xb1: {  	[sflag:s25] =	ssyncset.done $0x0  }
0xb2: {  	[sflag:s25] =	ssyncadd.s32 $0xFFFFD800  }
0xb3: {  	_ =	swait.ge [sflag:s26], $0x2800  }
0xb4: {  	[sflag:s26] =	ssyncset.done $0x0  }
0xb5: {  	[sflag:s26] =	ssyncadd.s32 $0xFFFFD800  }
0xb6: {  	_ =	swait.ge [sflag:s28], $0x2800  }
0xb7: {  	[sflag:s28] =	ssyncset.done $0x0  }
0xb8: {  	s3 =	simm.s32 $0x13A60;
	[sflag:s28] =	ssyncadd.s32 $0xFFFFD800  }
0xb9: {  	[spmem:s2] =	stream.indirect.scatter.add.f32 [tilespmem:s24], [sflag:$0x7], $0x40, s3, s17, $0xb8;
	[tilespmem:$0x1DC40] =	vst v63  }
0xba: {  	_ =	swait.ge [sflag:s29], $0x2800  }
0xbb: {  	[sflag:s29] =	ssyncset.done $0x0  }
0xbc: {  	s5 =	simm.s32 $0x13B00;
	[sflag:s29] =	ssyncadd.s32 $0xFFFFD800  }
0xbd: {  	[spmem:s2] =	stream.indirect.scatter.add.f32 [tilespmem:s21], [sflag:$0x8], $0x40, s5, s17, $0xb8;
	[tilespmem:$0x1DC40] =	vst v63  }
0xbe: {  	_ =	swait.ge [sflag:s30], $0x2800  }
0xbf: {  	[sflag:s30] =	ssyncset.done $0x0  }
0xc0: {  	[sflag:s30] =	ssyncadd.s32 $0xFFFFD800  }
0xc1: {  	_ =	swait.ge [sflag:s31], $0x2800  }
0xc2: {  	[sflag:s31] =	ssyncset.done $0x0  }
0xc3: {  	s15 =	simm.s32 $0xED80;
	[sflag:s31] =	ssyncadd.s32 $0xFFFFD800  }
0xc4: {  	[tilespmem:s18], [sflag:$0x1] =	stream.indirect.gather [hbm4b:s4+s17], $0x40, s15, s17, $0xb8;
	[tilespmem:$0x1DC40] =	vst v63  }
0xc5: {  	_ =	swait.ge [sflag:s16], $0x2800  }
0xc6: {  	[sflag:s16] =	ssyncset.done $0x0  }
0xc7: {  	s19 =	simm.s32 $0x13BA0;
	[sflag:s16] =	ssyncadd.s32 $0xFFFFD800  }
0xc8: {  	[spmem:s2] =	stream.indirect.scatter.add.f32 [tilespmem:s18], [sflag:$0x5], $0x40, s19, s17, $0xb8;
	[tilespmem:$0x1DC40] =	vst v63  }
0xc9: {  	_ =	swait.ge [sflag:s25], $0x2800  }
0xca: {  	s1 =	sadd.s32 $0x1, s1;
	s0 =	sshrl.u32 @p0 s6, $0x3;
	[sflag:s25] =	ssyncset.done $0x0  }
0xcb: {  	s3 =	simm.s32 @p0 $0x1;
	s5 =	simm.s32 @p0 $0x10;
	[sflag:s25] =	ssyncadd.s32 $0xFFFFD800  }
0xcc: {  	s15 =	simm.s32 @p0 $0x8;
	s19 =	simm.s32 @p0 $0x1FC9;
	[bflag:$0x0] =	sbarrier.arrive $0xFFFF  }
0xcd: {  	[hbm:s12@s5], [sflag:s19] =	dma.strided @p0 [spmem:s0@s15], $0xC80, s3, $0x8   }
0xce: {  	p1 =	sne.s32 s1, s13;
	s0 =	simm.s32 @p0 $0x9;
	s3 =	stileid.u32  }
0xcf: {  	s5 =	simm.s32 @!p0 $0x1;
	s15 =	simm.s32 @!p0 $0x10;
	_ =	swait.ge @p0 [sflag:s0], $0xC80  }
0xd0: {  	s19 =	simm.s32 @!p0 $0x8;
	s3 =	sshll.u32 @!p0 s3, $0x6;
	[sflag:s0] =	ssyncset.done @p0 $0x0  }
0xd1: {  	[sflag:s0] =	ssyncadd.s32 @p0 $0xFFFFF380;
	s0 =	sor.u32 @!p0 $0x1C09, s3;
	s3 =	sshrl.u32 @!p0 s6, $0x3  }
0xd2: {  	[hbm:s11@s15], [sflag:s0] =	dma.strided @!p0 [spmem:s3@s19], $0x1400, s5, $0x8   }
.Ltmp2:
0xd3: {  	_ = 	snop;
	(pc) =	sbr.rel @p1 .LBB2_1-.Ltmp2, $4  }
0xd4: {  	s0 =	simm.s32 @!p0 $0x9  }
0xd5: {  	_ =	swait.ge @!p0 [sflag:s0], $0x1400  }
0xd6: {  	[sflag:s0] =	ssyncset.done @!p0 $0x0  }
0xd7: {  	[sflag:s0] =	ssyncadd.s32 @!p0 $0xFFFFEC00  }
0xd8: {  	_ =	sfence.sel $0x180000  }
0xd9: {  	[bflag:$0x0] =	sbarrier.arrive $0xFFFF  }
0xda: {  	_ =	strace $0x90000047  }
0xdb: {  	s0 =	stileid.u32;
	[bflag:$0x2] =	sbarrier.arrive $0xFFFF  }
0xdc: {  	p0 =	sne.s32 s0, $0x0;
	s0 =	rddreg [dreg:$0x3]  }
0xdd: {  	s0 =	sadd.s32 @!p0 $0x100000, s0  }
0xde: {  	[sflag:s0] =	ssyncadd.tile.s32 @!p0 $0x1;
	_ =	shalt  }
.Lfunc_end2:
_tile_overlayer_lowered:
.L_overlay_start_2:
0xdf: {  	(tag) =	ssettag $0x2  }
0xe0: {  	s0 =	rddreg [dreg:$0x0];
	s2 =	stileid.u32  }
0xe1: {  	s1 =	rddreg [dreg:$0x1];
	p0 =	sne.s32 s2, $0x0  }
0xe2: {  	s3 =	rddreg [dreg:$0x2];
	[bflag:$0x3] =	sbarrier.arrive $0xFFFF;
	s2 =	simm.s32 @!p0 $0x1C09  }
0xe3: {  	[timem:s3], [sflag:s2] =	dma.local @!p0 [hbm:s0], s1  }
0xe4: {  	s0 =	simm.s32 @!p0 $0x9  }
0xe5: {  	_ =	swait.ge @!p0 [sflag:s0], s1  }
0xe6: {  	s1 =	ssub.s32 @!p0 $0x0, s1;
	[sflag:s0] =	ssyncset.done @!p0 $0x0  }
0xe7: {  	[sflag:s0] =	ssyncadd.s32 @!p0 s1  }
0xe8: {  	[bflag:$0x3] =	sbarrier.arrive $0xFFFF  }
0xe9: {  	_ =	shalt  }

</sc_bundles>
